<compile_context>
chip_gen: v7x
topology: tpu7x:2x2x1
jax: 0.10.2.dev20260603
libtpu: 0.0.44.dev20260713+nightly
codegen_flags: <defaults>
</compile_context>

<pallas_src>
import jax
import jax.numpy as jnp
from jax import lax
from jax.experimental import pallas as pl
from jax.experimental.pallas import tpu as pltpu
from jax.experimental.pallas import tpu_sc as plsc

_G = 512
_D = 128
_CH = 256
_TCBLK = 8192
_NW = 32
_GPW = _G // _NW
_NV = _D // 16


def _scores_body(x_ref, w1_ref, b1_ref, w2_ref, o_ref):
    h = jnp.tanh(
        jnp.dot(x_ref[...], w1_ref[...], preferred_element_type=jnp.float32)
        + b1_ref[...])
    sc = lax.dot_general(w2_ref[...], h, (((1,), (1,)), ((), ())),
                         preferred_element_type=jnp.float32)
    o_ref[...] = sc.reshape(_TCBLK // _D, _D)


def _compute_scores(x, W1, b1, W2):
    n = x.shape[0]
    nblk = pl.cdiv(n, _TCBLK)
    rows = _TCBLK // _D
    return pl.pallas_call(
        _scores_body,
        grid=(nblk,),
        in_specs=[
            pl.BlockSpec((_TCBLK, _D), lambda i: (i, 0)),
            pl.BlockSpec((_D, _D), lambda i: (0, 0)),
            pl.BlockSpec((1, _D), lambda i: (0, 0)),
            pl.BlockSpec((1, _D), lambda i: (0, 0)),
        ],
        out_specs=pl.BlockSpec((rows, _D), lambda i: (i, 0)),
        out_shape=jax.ShapeDtypeStruct((nblk * rows, _D), jnp.float32),
    )(x, W1, b1.reshape(1, _D), W2.reshape(1, _D))


def _sc_body(x_hbm, sc_hbm, off_hbm, sum_hbm, max_hbm, v_hbm, aux_hbm,
             xb, sb, offv, stg_sum, stg_max, stg_v, stg_aux, semx, sems):
    n_rows = x_hbm.shape[0] // _D
    wid = lax.axis_index("c") * 16 + lax.axis_index("s")
    gbase = wid * _GPW
    pltpu.sync_copy(off_hbm, offv.at[pl.ds(0, 520)])

    t0 = offv[pl.ds(gbase, 16)][0]
    t1 = offv[pl.ds(gbase + _GPW, 16)][0]
    base_a = (t0 // 8) * 8
    ncht = jnp.where(t1 > t0, (t1 - base_a + _CH - 1) // _CH, 0)
    _SB = _CH + 16

    def _chunk_base(k):
        return jnp.minimum(base_a + k * _CH, n_rows - _CH)

    def _issue(k):
        bc = _chunk_base(k)
        par = k % 3
        pltpu.make_async_copy(
            x_hbm.at[pl.ds(bc * _D, _CH * _D)],
            xb.at[pl.ds(par * (_CH * _D), _CH * _D)], semx.at[par]).start()
        pltpu.make_async_copy(
            sc_hbm.at[pl.ds(bc, _CH)],
            sb.at[pl.ds(par * _SB, _CH)], sems.at[par]).start()

    def _wait(k):
        par = k % 3
        pltpu.make_async_copy(
            x_hbm.at[pl.ds(0, _CH * _D)],
            xb.at[pl.ds(par * (_CH * _D), _CH * _D)], semx.at[par]).wait()
        pltpu.make_async_copy(
            sc_hbm.at[pl.ds(0, _CH)],
            sb.at[pl.ds(par * _SB, _CH)], sems.at[par]).wait()

    @pl.when(ncht > 0)
    def _prime():
        _issue(0)

    @pl.when(ncht > 1)
    def _prime2():
        _issue(1)

    def _rows(lo, hi, bc, xoff, soff, acc):
        def row_body(r, rc):
            rsum, rmax, rv, rsc = rc
            rl = r - bc
            sv = sb[pl.ds(soff + rl, 16)]
            p = jnp.exp(jnp.full((16,), sv[0], dtype=jnp.float32))
            nsum, nmax, nv = [], [], []
            for j in range(_NV):
                xv = xb[pl.ds(xoff + rl * _D + 16 * j, 16)]
                nsum.append(rsum[j] + xv)
                nmax.append(jnp.maximum(rmax[j], xv))
                nv.append(rv[j] + p * xv)
            return (tuple(nsum), tuple(nmax), tuple(nv), rsc + p)

        return lax.fori_loop(lo, hi, row_body, acc)

    def graph_body(gl, gcarry):
        done, issued = gcarry
        g = gbase + gl
        ov = offv[pl.ds(g, 16)]
        s0 = ov[0]
        s1 = ov[1]
        n = s1 - s0
        c_lo = (s0 - base_a) // _CH
        c_hi_p1 = jnp.where(n > 0, (s1 - 1 - base_a) // _CH + 1, c_lo)

        zeros = jnp.zeros((16,), jnp.float32)
        ninf = jnp.full((16,), -jnp.inf, dtype=jnp.float32)
        acc0 = ((zeros,) * _NV, (ninf,) * _NV, (zeros,) * _NV, zeros,
                done, issued)

        def chunk_body(k, carry):
            asum, amax, av, asc, done, issued = carry
            done = lax.cond(done <= k,
                            lambda: (_wait(k), k + 1)[1],
                            lambda: done)
            issued = lax.cond((issued <= k + 2) & (k + 2 < ncht),
                              lambda: (_issue(k + 2), k + 3)[1],
                              lambda: issued)
            bc = _chunk_base(k)
            lo = jnp.maximum(s0, base_a + k * _CH)
            hi = jnp.minimum(s1, base_a + (k + 1) * _CH)
            par = k % 3
            asum, amax, av, asc = _rows(
                lo, hi, bc, par * (_CH * _D), par * _SB,
                (asum, amax, av, asc))
            return (asum, amax, av, asc, done, issued)

        asum, amax, av, asc, done, issued = lax.fori_loop(
            c_lo, c_hi_p1, chunk_body, acc0)

        for j in range(_NV):
            stg_sum[pl.ds(gl * _D + 16 * j, 16)] = asum[j]
            stg_max[pl.ds(gl * _D + 16 * j, 16)] = amax[j]
            stg_v[pl.ds(gl * _D + 16 * j, 16)] = av[j]
        stg_aux[pl.ds(gl * _D, 16)] = asc
        cntv = jnp.full((16,), n, dtype=jnp.int32).astype(jnp.float32)
        stg_aux[pl.ds(gl * _D + 16, 16)] = cntv
        return (done, issued)

    lax.fori_loop(0, _GPW, graph_body,
                  (0, jnp.minimum(ncht, 2)))

    pltpu.sync_copy(stg_sum, sum_hbm.at[pl.ds(gbase * _D, _GPW * _D)])
    pltpu.sync_copy(stg_max, max_hbm.at[pl.ds(gbase * _D, _GPW * _D)])
    pltpu.sync_copy(stg_v, v_hbm.at[pl.ds(gbase * _D, _GPW * _D)])
    pltpu.sync_copy(stg_aux, aux_hbm.at[pl.ds(gbase * _D, _GPW * _D)])


def _sc_reduce(x, scores1d, off):
    mesh = plsc.VectorSubcoreMesh(core_axis_name="c", subcore_axis_name="s")
    f = pl.kernel(
        _sc_body,
        out_type=(
            jax.ShapeDtypeStruct((_G * _D,), jnp.float32),
            jax.ShapeDtypeStruct((_G * _D,), jnp.float32),
            jax.ShapeDtypeStruct((_G * _D,), jnp.float32),
            jax.ShapeDtypeStruct((_G * _D,), jnp.float32),
        ),
        mesh=mesh,
        scratch_types=[
            pltpu.VMEM((3 * _CH * _D,), jnp.float32),
            pltpu.VMEM((3 * (_CH + 16),), jnp.float32),
            pltpu.VMEM((544,), jnp.int32),
            pltpu.VMEM((_GPW * _D,), jnp.float32),
            pltpu.VMEM((_GPW * _D,), jnp.float32),
            pltpu.VMEM((_GPW * _D,), jnp.float32),
            pltpu.VMEM((_GPW * _D,), jnp.float32),
            pltpu.SemaphoreType.DMA((3,)),
            pltpu.SemaphoreType.DMA((3,)),
        ],
    )
    return f(x.reshape(-1), scores1d, off)


def _epilogue_body(sum_ref, max_ref, v_ref, aux_ref, w_ref, gam_ref, bet_ref,
                   o_ref):
    s = aux_ref[:, 0:1]
    cnt = aux_ref[:, 16:17]
    mean = sum_ref[...] / jnp.maximum(cnt, 1.0)
    att = v_ref[...] / s
    p0 = w_ref[0, 0]
    p1 = w_ref[0, 1]
    p2 = w_ref[0, 2]
    m = jnp.maximum(jnp.maximum(p0, p1), p2)
    e0 = jnp.exp(p0 - m)
    e1 = jnp.exp(p1 - m)
    e2 = jnp.exp(p2 - m)
    si = 1.0 / (e0 + e1 + e2)
    emb = (e0 * si) * mean + (e1 * si) * max_ref[...] + (e2 * si) * att
    mu = jnp.mean(emb, axis=1, keepdims=True)
    var = jnp.mean((emb - mu) ** 2, axis=1, keepdims=True)
    o_ref[...] = ((emb - mu) * lax.rsqrt(var + 1e-5) * gam_ref[...]
                  + bet_ref[...])


def _epilogue(sum_p, max_p, v_p, aux, wv, gamma, beta):
    return pl.pallas_call(
        _epilogue_body,
        in_specs=[
            pl.BlockSpec((_G, _D), lambda: (0, 0)),
            pl.BlockSpec((_G, _D), lambda: (0, 0)),
            pl.BlockSpec((_G, _D), lambda: (0, 0)),
            pl.BlockSpec((_G, _D), lambda: (0, 0)),
            pl.BlockSpec(memory_space=pltpu.SMEM),
            pl.BlockSpec((1, _D), lambda: (0, 0)),
            pl.BlockSpec((1, _D), lambda: (0, 0)),
        ],
        out_specs=pl.BlockSpec((_G, _D), lambda: (0, 0)),
        out_shape=jax.ShapeDtypeStruct((_G, _D), jnp.float32),
    )(sum_p, max_p, v_p, aux, wv, gamma, beta)


def kernel(x, batch, W1, b1, W2, pool_weights, ln_gamma, ln_beta):
    x = x.astype(jnp.float32)
    batch = batch.astype(jnp.int32)
    off = jnp.searchsorted(
        batch, jnp.arange(520, dtype=jnp.int32),
        method="compare_all").astype(jnp.int32)

    scores = _compute_scores(x, W1, b1, W2).reshape(-1)
    sum_p, max_p, v_p, aux = _sc_reduce(x, scores, off)
    sum_p = sum_p.reshape(_G, _D)
    max_p = max_p.reshape(_G, _D)
    v_p = v_p.reshape(_G, _D)
    aux = aux.reshape(_G, _D)

    wv = pool_weights.astype(jnp.float32).reshape(1, 3)
    return _epilogue(sum_p, max_p, v_p, aux,
                     wv, ln_gamma.reshape(1, _D), ln_beta.reshape(1, _D))

# --- scband reference (transcript-rebuilt; emitter-appended) ---
"""Pipeline reference for scband-multi-readout-35107062678103 (READ-ONLY COPY).

The authoritative reference and input builder live on the scoring server;
editing this copy changes nothing except your own understanding.
"""

import jax, jax.numpy as jnp
import numpy as np

N = 100000
D = 128
G = 512

def setup_inputs(seed: int = 0) -> dict:
    key = jax.random.key(seed)
    k1, k2, k3, k4 = jax.random.split(key, 4)
    x = jax.random.normal(k1, (N, D), dtype=jnp.float32)
    batch = jnp.sort(jax.random.randint(k2, (N,), 0, G, dtype=jnp.int64))
    W1 = jax.random.normal(k3, (D, D), dtype=jnp.float32) * 0.05
    b1 = jnp.zeros((D,), dtype=jnp.float32)
    W2 = jax.random.normal(k4, (D, 1), dtype=jnp.float32) * 0.05
    pool_weights = jnp.ones((3,), dtype=jnp.float32)
    ln_gamma = jnp.ones((D,), dtype=jnp.float32)
    ln_beta = jnp.zeros((D,), dtype=jnp.float32)
    return {"x": x, "batch": batch, "W1": W1, "b1": b1, "W2": W2,
            "pool_weights": pool_weights, "ln_gamma": ln_gamma, "ln_beta": ln_beta}

def reference(x, batch, W1, b1, W2, pool_weights, ln_gamma, ln_beta):
    num_graphs = G
    n = x.shape[0]
    # global pools
    sum_pool = jax.ops.segment_sum(x, batch, num_segments=num_graphs)
    counts = jax.ops.segment_sum(jnp.ones((n,), jnp.float32), batch, num_segments=num_graphs)
    mean_pool = sum_pool / jnp.clip(counts, 1.0, None)[:, None]
    max_pool = jax.ops.segment_max(x, batch, num_segments=num_graphs)
    # attentive readout (faithful to torch: max_scores initialized at zeros)
    h = jnp.tanh(x @ W1 + b1)
    scores = h @ W2  # [N, 1]
    seg_max = jax.ops.segment_max(scores, batch, num_segments=num_graphs)
    seg_max = jnp.maximum(seg_max, 0.0)
    exp_scores = jnp.exp(scores - seg_max[batch])
    sum_exp = jax.ops.segment_sum(exp_scores, batch, num_segments=num_graphs)
    normalized = exp_scores / sum_exp[batch]
    att_pool = jax.ops.segment_sum(x * normalized, batch, num_segments=num_graphs)
    # weighted combination
    w = jax.nn.softmax(pool_weights)
    emb = w[0] * mean_pool + w[1] * max_pool + w[2] * att_pool
    # LayerNorm
    mu = emb.mean(axis=-1, keepdims=True)
    var = ((emb - mu) ** 2).mean(axis=-1, keepdims=True)
    out = (emb - mu) / jnp.sqrt(var + 1e-5) * ln_gamma + ln_beta
    return out

if __name__ == "__main__":
    import jax
    _d = setup_inputs()
    print(jax.jit(kernel)(*tuple(_d.values())))

</pallas_src>

<mosaic_0001>
#map = affine_map<(d0, d1) -> (0)>
module attributes {stable_mosaic.version = 14 : i64} {
  func.func @_sc_body(%arg0: i32, %arg1: i32, %arg2: memref<12800000xf32, #tpu.memory_space<hbm>>, %arg3: memref<106496xf32, #tpu.memory_space<hbm>>, %arg4: memref<520xi32, #tpu.memory_space<hbm>>, %arg5: memref<65536xf32, #tpu.memory_space<hbm>>, %arg6: memref<65536xf32, #tpu.memory_space<hbm>>, %arg7: memref<65536xf32, #tpu.memory_space<hbm>>, %arg8: memref<65536xf32, #tpu.memory_space<hbm>>, %arg9: memref<98304xf32, #tpu.memory_space<vmem>>, %arg10: memref<816xf32, #tpu.memory_space<vmem>>, %arg11: memref<544xi32, #tpu.memory_space<vmem>>, %arg12: memref<2048xf32, #tpu.memory_space<vmem>>, %arg13: memref<2048xf32, #tpu.memory_space<vmem>>, %arg14: memref<2048xf32, #tpu.memory_space<vmem>>, %arg15: memref<2048xf32, #tpu.memory_space<vmem>>, %arg16: memref<3x!tpu.dma_semaphore, #tpu.memory_space<semaphore_mem>>, %arg17: memref<3x!tpu.dma_semaphore, #tpu.memory_space<semaphore_mem>>) attributes {dimension_semantics = [#tpu.dimension_semantics<core_parallel>, #tpu.dimension_semantics<subcore_parallel>], iteration_bounds = array<i64: 2, 16>, scalar_prefetch = 0 : i64, scratch_operands = 9 : i64, tpu.core_type = #tpu.core_type<sc_vector_subcore>, window_params = [{transform_indices = #map}, {transform_indices = #map}, {transform_indices = #map}, {transform_indices = #map}, {transform_indices = #map}, {transform_indices = #map}, {transform_indices = #map}]} {
    %mul3A = arith.constant 16 : i32
    %mul3A_0 = arith.muli %arg0, %mul3A : i32
    %add3A = arith.addi %mul3A_0, %arg1 : i32
    %mul3A_1 = arith.constant 16 : i32
    %mul3A_2 = arith.muli %add3A, %mul3A_1 : i32
    "tpu.region"() ({
      %run_scoped3A = tpu.sem_alloc : memref<!tpu.dma_semaphore, #tpu.memory_space<semaphore_mem>>
      %dma_start3A = arith.constant 0 : i32
      %dma_start3A_84 = tpu.memref_slice %arg11[%dma_start3A] : memref<544xi32, #tpu.memory_space<vmem>> -> memref<520xi32, #tpu.memory_space<vmem>>
      %dma_start3A_85 = arith.constant 0 : i32
      %dma_start3A_86 = tpu.memref_slice %arg11[%dma_start3A_85] : memref<544xi32, #tpu.memory_space<vmem>> -> memref<520xi32, #tpu.memory_space<vmem>>
      tpu.enqueue_dma source(%arg4 : memref<520xi32, #tpu.memory_space<hbm>>) target(%dma_start3A_86 : memref<520xi32, #tpu.memory_space<vmem>>) target_semaphore(%run_scoped3A : memref<!tpu.dma_semaphore, #tpu.memory_space<semaphore_mem>>)
      %dma_wait3A = arith.constant 0 : i32
      %dma_wait3A_87 = tpu.memref_slice %arg11[%dma_wait3A] : memref<544xi32, #tpu.memory_space<vmem>> -> memref<520xi32, #tpu.memory_space<vmem>>
      %dma_wait3A_88 = arith.constant 0 : i32
      %dma_wait3A_89 = tpu.memref_slice %arg11[%dma_wait3A_88] : memref<544xi32, #tpu.memory_space<vmem>> -> memref<520xi32, #tpu.memory_space<vmem>>
      tpu.wait_dma2 semaphore(%run_scoped3A : memref<!tpu.dma_semaphore, #tpu.memory_space<semaphore_mem>>) src(%arg4 : memref<520xi32, #tpu.memory_space<hbm>>) dst(%dma_wait3A_89 : memref<520xi32, #tpu.memory_space<vmem>>)
      tpu.yield
    }) : () -> ()
    %get3A = arith.index_cast %mul3A_2 : i32 to index
    %get3A_3 = tpu.vector_load %arg11[%get3A] {strides = array<i32>} : memref<544xi32, #tpu.memory_space<vmem>>, vector<16xi32>,
    %get3A_4 = vector.shape_cast %get3A_3 : vector<16xi32> to vector<16xi32>
    %slice3A = vector.extract_strided_slice %get3A_4 {offsets = [0], sizes = [1], strides = [1]} : vector<16xi32> to vector<1xi32>
    %squeeze3A = vector.extract %slice3A[0] : i32 from vector<1xi32>
    %add3A_5 = arith.constant 16 : i32
    %add3A_6 = arith.addi %mul3A_2, %add3A_5 : i32
    %get3A_7 = arith.index_cast %add3A_6 : i32 to index
    %get3A_8 = tpu.vector_load %arg11[%get3A_7] {strides = array<i32>} : memref<544xi32, #tpu.memory_space<vmem>>, vector<16xi32>,
    %get3A_9 = vector.shape_cast %get3A_8 : vector<16xi32> to vector<16xi32>
    %slice3A_10 = vector.extract_strided_slice %get3A_9 {offsets = [0], sizes = [1], strides = [1]} : vector<16xi32> to vector<1xi32>
    %squeeze3A_11 = vector.extract %slice3A_10[0] : i32 from vector<1xi32>
    %jit3A = arith.constant 8 : i32
    %div3A = arith.divsi %squeeze3A, %jit3A : i32
    %sign3A = arith.constant 0 : i32
    %sign3A_12 = arith.cmpi sgt, %squeeze3A, %sign3A : i32
    %sign3A_13 = arith.extui %sign3A_12 : i1 to i32
    %sign3A_14 = arith.constant 0 : i32
    %sign3A_15 = arith.cmpi slt, %squeeze3A, %sign3A_14 : i32
    %sign3A_16 = arith.extui %sign3A_15 : i1 to i32
    %sign3A_17 = arith.subi %sign3A_13, %sign3A_16 : i32
    %sign3A_18 = arith.constant 0 : i32
    %sign3A_19 = arith.cmpi sgt, %jit3A, %sign3A_18 : i32
    %sign3A_20 = arith.extui %sign3A_19 : i1 to i32
    %sign3A_21 = arith.constant 0 : i32
    %sign3A_22 = arith.cmpi slt, %jit3A, %sign3A_21 : i32
    %sign3A_23 = arith.extui %sign3A_22 : i1 to i32
    %sign3A_24 = arith.subi %sign3A_20, %sign3A_23 : i32
    %ne3A = arith.cmpi ne, %sign3A_17, %sign3A_24 : i32
    %rem3A = arith.remsi %squeeze3A, %jit3A : i32
    %ne3A_25 = arith.constant 0 : i32
    %ne3A_26 = arith.cmpi ne, %rem3A, %ne3A_25 : i32
    %and3A = arith.andi %ne3A, %ne3A_26 : i1
    %sub3A = arith.constant 1 : i32
    %sub3A_27 = arith.subi %div3A, %sub3A : i32
    %select_n3A = arith.select %and3A, %sub3A_27, %div3A : i32
    %mul3A_28 = arith.constant 8 : i32
    %mul3A_29 = arith.muli %select_n3A, %mul3A_28 : i32
    %gt3A = arith.cmpi sgt, %squeeze3A_11, %squeeze3A : i32
    %sub3A_30 = arith.subi %squeeze3A_11, %mul3A_29 : i32
    %add3A_31 = arith.constant 256 : i32
    %add3A_32 = arith.addi %sub3A_30, %add3A_31 : i32
    %sub3A_33 = arith.constant 1 : i32
    %sub3A_34 = arith.subi %add3A_32, %sub3A_33 : i32
    %jit3A_35 = arith.constant 256 : i32
    %div3A_36 = arith.divsi %sub3A_34, %jit3A_35 : i32
    %sign3A_37 = arith.constant 0 : i32
    %sign3A_38 = arith.cmpi sgt, %sub3A_34, %sign3A_37 : i32
    %sign3A_39 = arith.extui %sign3A_38 : i1 to i32
    %sign3A_40 = arith.constant 0 : i32
    %sign3A_41 = arith.cmpi slt, %sub3A_34, %sign3A_40 : i32
    %sign3A_42 = arith.extui %sign3A_41 : i1 to i32
    %sign3A_43 = arith.subi %sign3A_39, %sign3A_42 : i32
    %sign3A_44 = arith.constant 0 : i32
    %sign3A_45 = arith.cmpi sgt, %jit3A_35, %sign3A_44 : i32
    %sign3A_46 = arith.extui %sign3A_45 : i1 to i32
    %sign3A_47 = arith.constant 0 : i32
    %sign3A_48 = arith.cmpi slt, %jit3A_35, %sign3A_47 : i32
    %sign3A_49 = arith.extui %sign3A_48 : i1 to i32
    %sign3A_50 = arith.subi %sign3A_46, %sign3A_49 : i32
    %ne3A_51 = arith.cmpi ne, %sign3A_43, %sign3A_50 : i32
    %rem3A_52 = arith.remsi %sub3A_34, %jit3A_35 : i32
    %ne3A_53 = arith.constant 0 : i32
    %ne3A_54 = arith.cmpi ne, %rem3A_52, %ne3A_53 : i32
    %and3A_55 = arith.andi %ne3A_51, %ne3A_54 : i1
    %sub3A_56 = arith.constant 1 : i32
    %sub3A_57 = arith.subi %div3A_36, %sub3A_56 : i32
    %select_n3A_58 = arith.select %and3A_55, %sub3A_57, %div3A_36 : i32
    %jit3A_59 = arith.constant 0 : i32
    %select_n3A_60 = arith.select %gt3A, %select_n3A_58, %jit3A_59 : i32
    %gt3A_61 = arith.constant 0 : i32
    %gt3A_62 = arith.cmpi sgt, %select_n3A_60, %gt3A_61 : i32
    %convert_element_type3A = arith.extui %gt3A_62 : i1 to i32
    %cond3A = arith.constant 0 : i32
    %cond3A_63 = arith.cmpi ne, %convert_element_type3A, %cond3A : i32
    scf.if %cond3A_63 {
      %add3A_84 = arith.constant 0 : i32
      %add3A_85 = arith.addi %mul3A_29, %add3A_84 : i32
      %min3A_86 = arith.constant 99744 : i32
      %min3A_87 = arith.minsi %add3A_85, %min3A_86 : i32
      %mul3A_88 = arith.constant 128 : i32
      %mul3A_89 = arith.muli %min3A_87, %mul3A_88 : i32
      %dma_start3A = arith.constant 0 : i32
      %dma_start3A_90 = arith.constant 0 : i32
      %dma_start3A_91 = tpu.memref_slice %arg9[%dma_start3A_90] : memref<98304xf32, #tpu.memory_space<vmem>> -> memref<32768xf32, #tpu.memory_space<vmem>>
      %dma_start3A_92 = tpu.memref_slice %arg2[%mul3A_89] : memref<12800000xf32, #tpu.memory_space<hbm>> -> memref<32768xf32, #tpu.memory_space<hbm>>
      %dma_start3A_93 = tpu.memref_slice %arg16[%dma_start3A] : memref<3x!tpu.dma_semaphore, #tpu.memory_space<semaphore_mem>> -> memref<1x!tpu.dma_semaphore, #tpu.memory_space<semaphore_mem>>
      %dma_start3A_94 = tpu.memref_squeeze %dma_start3A_93 : memref<1x!tpu.dma_semaphore, #tpu.memory_space<semaphore_mem>> -> memref<!tpu.dma_semaphore, #tpu.memory_space<semaphore_mem>>
      %dma_start3A_95 = arith.constant 0 : i32
      %dma_start3A_96 = tpu.memref_slice %arg9[%dma_start3A_95] : memref<98304xf32, #tpu.memory_space<vmem>> -> memref<32768xf32, #tpu.memory_space<vmem>>
      %dma_start3A_97 = tpu.memref_slice %arg2[%mul3A_89] : memref<12800000xf32, #tpu.memory_space<hbm>> -> memref<32768xf32, #tpu.memory_space<hbm>>
      tpu.enqueue_dma source(%dma_start3A_97 : memref<32768xf32, #tpu.memory_space<hbm>>) target(%dma_start3A_96 : memref<32768xf32, #tpu.memory_space<vmem>>) target_semaphore(%dma_start3A_94 : memref<!tpu.dma_semaphore, #tpu.memory_space<semaphore_mem>>)
      %dma_start3A_98 = arith.constant 0 : i32
      %dma_start3A_99 = arith.constant 0 : i32
      %dma_start3A_100 = tpu.memref_slice %arg10[%dma_start3A_99] : memref<816xf32, #tpu.memory_space<vmem>> -> memref<256xf32, #tpu.memory_space<vmem>>
      %dma_start3A_101 = tpu.memref_slice %arg3[%min3A_87] : memref<106496xf32, #tpu.memory_space<hbm>> -> memref<256xf32, #tpu.memory_space<hbm>>
      %dma_start3A_102 = tpu.memref_slice %arg17[%dma_start3A_98] : memref<3x!tpu.dma_semaphore, #tpu.memory_space<semaphore_mem>> -> memref<1x!tpu.dma_semaphore, #tpu.memory_space<semaphore_mem>>
      %dma_start3A_103 = tpu.memref_squeeze %dma_start3A_102 : memref<1x!tpu.dma_semaphore, #tpu.memory_space<semaphore_mem>> -> memref<!tpu.dma_semaphore, #tpu.memory_space<semaphore_mem>>
      %dma_start3A_104 = arith.constant 0 : i32
      %dma_start3A_105 = tpu.memref_slice %arg10[%dma_start3A_104] : memref<816xf32, #tpu.memory_space<vmem>> -> memref<256xf32, #tpu.memory_space<vmem>>
      %dma_start3A_106 = tpu.memref_slice %arg3[%min3A_87] : memref<106496xf32, #tpu.memory_space<hbm>> -> memref<256xf32, #tpu.memory_space<hbm>>
      tpu.enqueue_dma source(%dma_start3A_106 : memref<256xf32, #tpu.memory_space<hbm>>) target(%dma_start3A_105 : memref<256xf32, #tpu.memory_space<vmem>>) target_semaphore(%dma_start3A_103 : memref<!tpu.dma_semaphore, #tpu.memory_space<semaphore_mem>>)
    } else {
    }
    %gt3A_64 = arith.constant 1 : i32
    %gt3A_65 = arith.cmpi sgt, %select_n3A_60, %gt3A_64 : i32
    %convert_element_type3A_66 = arith.extui %gt3A_65 : i1 to i32
    %cond3A_67 = arith.constant 0 : i32
    %cond3A_68 = arith.cmpi ne, %convert_element_type3A_66, %cond3A_67 : i32
    scf.if %cond3A_68 {
      %add3A_84 = arith.constant 256 : i32
      %add3A_85 = arith.addi %mul3A_29, %add3A_84 : i32
      %min3A_86 = arith.constant 99744 : i32
      %min3A_87 = arith.minsi %add3A_85, %min3A_86 : i32
      %mul3A_88 = arith.constant 128 : i32
      %mul3A_89 = arith.muli %min3A_87, %mul3A_88 : i32
      %dma_start3A = arith.constant 1 : i32
      %dma_start3A_90 = arith.constant 32768 : i32
      %dma_start3A_91 = tpu.memref_slice %arg9[%dma_start3A_90] : memref<98304xf32, #tpu.memory_space<vmem>> -> memref<32768xf32, #tpu.memory_space<vmem>>
      %dma_start3A_92 = tpu.memref_slice %arg2[%mul3A_89] : memref<12800000xf32, #tpu.memory_space<hbm>> -> memref<32768xf32, #tpu.memory_space<hbm>>
      %dma_start3A_93 = tpu.memref_slice %arg16[%dma_start3A] : memref<3x!tpu.dma_semaphore, #tpu.memory_space<semaphore_mem>> -> memref<1x!tpu.dma_semaphore, #tpu.memory_space<semaphore_mem>>
      %dma_start3A_94 = tpu.memref_squeeze %dma_start3A_93 : memref<1x!tpu.dma_semaphore, #tpu.memory_space<semaphore_mem>> -> memref<!tpu.dma_semaphore, #tpu.memory_space<semaphore_mem>>
      %dma_start3A_95 = arith.constant 32768 : i32
      %dma_start3A_96 = tpu.memref_slice %arg9[%dma_start3A_95] : memref<98304xf32, #tpu.memory_space<vmem>> -> memref<32768xf32, #tpu.memory_space<vmem>>
      %dma_start3A_97 = tpu.memref_slice %arg2[%mul3A_89] : memref<12800000xf32, #tpu.memory_space<hbm>> -> memref<32768xf32, #tpu.memory_space<hbm>>
      tpu.enqueue_dma source(%dma_start3A_97 : memref<32768xf32, #tpu.memory_space<hbm>>) target(%dma_start3A_96 : memref<32768xf32, #tpu.memory_space<vmem>>) target_semaphore(%dma_start3A_94 : memref<!tpu.dma_semaphore, #tpu.memory_space<semaphore_mem>>)
      %dma_start3A_98 = arith.constant 1 : i32
      %dma_start3A_99 = arith.constant 272 : i32
      %dma_start3A_100 = tpu.memref_slice %arg10[%dma_start3A_99] : memref<816xf32, #tpu.memory_space<vmem>> -> memref<256xf32, #tpu.memory_space<vmem>>
      %dma_start3A_101 = tpu.memref_slice %arg3[%min3A_87] : memref<106496xf32, #tpu.memory_space<hbm>> -> memref<256xf32, #tpu.memory_space<hbm>>
      %dma_start3A_102 = tpu.memref_slice %arg17[%dma_start3A_98] : memref<3x!tpu.dma_semaphore, #tpu.memory_space<semaphore_mem>> -> memref<1x!tpu.dma_semaphore, #tpu.memory_space<semaphore_mem>>
      %dma_start3A_103 = tpu.memref_squeeze %dma_start3A_102 : memref<1x!tpu.dma_semaphore, #tpu.memory_space<semaphore_mem>> -> memref<!tpu.dma_semaphore, #tpu.memory_space<semaphore_mem>>
      %dma_start3A_104 = arith.constant 272 : i32
      %dma_start3A_105 = tpu.memref_slice %arg10[%dma_start3A_104] : memref<816xf32, #tpu.memory_space<vmem>> -> memref<256xf32, #tpu.memory_space<vmem>>
      %dma_start3A_106 = tpu.memref_slice %arg3[%min3A_87] : memref<106496xf32, #tpu.memory_space<hbm>> -> memref<256xf32, #tpu.memory_space<hbm>>
      tpu.enqueue_dma source(%dma_start3A_106 : memref<256xf32, #tpu.memory_space<hbm>>) target(%dma_start3A_105 : memref<256xf32, #tpu.memory_space<vmem>>) target_semaphore(%dma_start3A_103 : memref<!tpu.dma_semaphore, #tpu.memory_space<semaphore_mem>>)
    } else {
    }
    %min3A = arith.constant 2 : i32
    %min3A_69 = arith.minsi %select_n3A_60, %min3A : i32
    %scan3A = arith.constant 0 : i32
    %scan3A_70 = arith.constant 0 : i32
    %scan3A_71 = arith.constant 16 : i32
    %scan3A_72 = arith.addi %scan3A_70, %scan3A_71 : i32
    %scan3A_73 = arith.constant 1 : i32
    %scan3A_74:2 = scf.for %scan3A_84 = %scan3A_70 to %scan3A_72 step %scan3A_73 iter_args(%scan3A_85 = %scan3A, %scan3A_86 = %min3A_69) -> (i32, i32)  : i32 {
      %add3A_87 = arith.addi %mul3A_2, %scan3A_84 : i32
      %get3A_88 = arith.index_cast %add3A_87 : i32 to index
      %get3A_89 = tpu.vector_load %arg11[%get3A_88] {strides = array<i32>} : memref<544xi32, #tpu.memory_space<vmem>>, vector<16xi32>,
      %get3A_90 = vector.shape_cast %get3A_89 : vector<16xi32> to vector<16xi32>
      %slice3A_91 = vector.extract_strided_slice %get3A_90 {offsets = [0], sizes = [1], strides = [1]} : vector<16xi32> to vector<1xi32>
      %squeeze3A_92 = vector.extract %slice3A_91[0] : i32 from vector<1xi32>
      %slice3A_93 = vector.extract_strided_slice %get3A_90 {offsets = [1], sizes = [1], strides = [1]} : vector<16xi32> to vector<1xi32>
      %squeeze3A_94 = vector.extract %slice3A_93[0] : i32 from vector<1xi32>
      %sub3A_95 = arith.subi %squeeze3A_94, %squeeze3A_92 : i32
      %sub3A_96 = arith.subi %squeeze3A_92, %mul3A_29 : i32
      %jit3A_97 = arith.constant 256 : i32
      %div3A_98 = arith.divsi %sub3A_96, %jit3A_97 : i32
      %sign3A_99 = arith.constant 0 : i32
      %sign3A_100 = arith.cmpi sgt, %sub3A_96, %sign3A_99 : i32
      %sign3A_101 = arith.extui %sign3A_100 : i1 to i32
      %sign3A_102 = arith.constant 0 : i32
      %sign3A_103 = arith.cmpi slt, %sub3A_96, %sign3A_102 : i32
      %sign3A_104 = arith.extui %sign3A_103 : i1 to i32
      %sign3A_105 = arith.subi %sign3A_101, %sign3A_104 : i32
      %sign3A_106 = arith.constant 0 : i32
      %sign3A_107 = arith.cmpi sgt, %jit3A_97, %sign3A_106 : i32
      %sign3A_108 = arith.extui %sign3A_107 : i1 to i32
      %sign3A_109 = arith.constant 0 : i32
      %sign3A_110 = arith.cmpi slt, %jit3A_97, %sign3A_109 : i32
      %sign3A_111 = arith.extui %sign3A_110 : i1 to i32
      %sign3A_112 = arith.subi %sign3A_108, %sign3A_111 : i32
      %ne3A_113 = arith.cmpi ne, %sign3A_105, %sign3A_112 : i32
      %rem3A_114 = arith.remsi %sub3A_96, %jit3A_97 : i32
      %ne3A_115 = arith.constant 0 : i32
      %ne3A_116 = arith.cmpi ne, %rem3A_114, %ne3A_115 : i32
      %and3A_117 = arith.andi %ne3A_113, %ne3A_116 : i1
      %sub3A_118 = arith.constant 1 : i32
      %sub3A_119 = arith.subi %div3A_98, %sub3A_118 : i32
      %select_n3A_120 = arith.select %and3A_117, %sub3A_119, %div3A_98 : i32
      %gt3A_121 = arith.constant 0 : i32
      %gt3A_122 = arith.cmpi sgt, %sub3A_95, %gt3A_121 : i32
      %sub3A_123 = arith.constant 1 : i32
      %sub3A_124 = arith.subi %squeeze3A_94, %sub3A_123 : i32
      %sub3A_125 = arith.subi %sub3A_124, %mul3A_29 : i32
      %jit3A_126 = arith.constant 256 : i32
      %div3A_127 = arith.divsi %sub3A_125, %jit3A_126 : i32
      %sign3A_128 = arith.constant 0 : i32
      %sign3A_129 = arith.cmpi sgt, %sub3A_125, %sign3A_128 : i32
      %sign3A_130 = arith.extui %sign3A_129 : i1 to i32
      %sign3A_131 = arith.constant 0 : i32
      %sign3A_132 = arith.cmpi slt, %sub3A_125, %sign3A_131 : i32
      %sign3A_133 = arith.extui %sign3A_132 : i1 to i32
      %sign3A_134 = arith.subi %sign3A_130, %sign3A_133 : i32
      %sign3A_135 = arith.constant 0 : i32
      %sign3A_136 = arith.cmpi sgt, %jit3A_126, %sign3A_135 : i32
      %sign3A_137 = arith.extui %sign3A_136 : i1 to i32
      %sign3A_138 = arith.constant 0 : i32
      %sign3A_139 = arith.cmpi slt, %jit3A_126, %sign3A_138 : i32
      %sign3A_140 = arith.extui %sign3A_139 : i1 to i32
      %sign3A_141 = arith.subi %sign3A_137, %sign3A_140 : i32
      %ne3A_142 = arith.cmpi ne, %sign3A_134, %sign3A_141 : i32
      %rem3A_143 = arith.remsi %sub3A_125, %jit3A_126 : i32
      %ne3A_144 = arith.constant 0 : i32
      %ne3A_145 = arith.cmpi ne, %rem3A_143, %ne3A_144 : i32
      %and3A_146 = arith.andi %ne3A_142, %ne3A_145 : i1
      %sub3A_147 = arith.constant 1 : i32
      %sub3A_148 = arith.subi %div3A_127, %sub3A_147 : i32
      %select_n3A_149 = arith.select %and3A_146, %sub3A_148, %div3A_127 : i32
      %add3A_150 = arith.constant 1 : i32
      %add3A_151 = arith.addi %select_n3A_149, %add3A_150 : i32
      %select_n3A_152 = arith.select %gt3A_122, %add3A_151, %select_n3A_120 : i32
      %broadcast_in_dim3A = arith.constant 0.000000e+00 : f32
      %broadcast_in_dim3A_153 = vector.broadcast %broadcast_in_dim3A : f32 to vector<16xf32>
      %broadcast_in_dim3A_154 = arith.constant 0xFF800000 : f32
      %broadcast_in_dim3A_155 = vector.broadcast %broadcast_in_dim3A_154 : f32 to vector<16xf32>
      %while3A = arith.subi %select_n3A_152, %select_n3A_120 : i32
      %while3A_156 = arith.addi %select_n3A_120, %while3A : i32
      %while3A_157 = arith.constant 1 : i32
      %while3A_158 = arith.divsi %while3A, %while3A_157 : i32
      %while3A_159 = arith.muli %while3A_158, %while3A_157 : i32
      %while3A_160 = arith.addi %select_n3A_120, %while3A_159 : i32
      %while3A_161 = arith.constant 1 : i32
      %while3A_162:27 = scf.for %while3A_372 = %select_n3A_120 to %while3A_160 step %while3A_161 iter_args(%while3A_373 = %broadcast_in_dim3A_153, %while3A_374 = %broadcast_in_dim3A_153, %while3A_375 = %broadcast_in_dim3A_153, %while3A_376 = %broadcast_in_dim3A_153, %while3A_377 = %broadcast_in_dim3A_153, %while3A_378 = %broadcast_in_dim3A_153, %while3A_379 = %broadcast_in_dim3A_153, %while3A_380 = %broadcast_in_dim3A_153, %while3A_381 = %broadcast_in_dim3A_155, %while3A_382 = %broadcast_in_dim3A_155, %while3A_383 = %broadcast_in_dim3A_155, %while3A_384 = %broadcast_in_dim3A_155, %while3A_385 = %broadcast_in_dim3A_155, %while3A_386 = %broadcast_in_dim3A_155, %while3A_387 = %broadcast_in_dim3A_155, %while3A_388 = %broadcast_in_dim3A_155, %while3A_389 = %broadcast_in_dim3A_153, %while3A_390 = %broadcast_in_dim3A_153, %while3A_391 = %broadcast_in_dim3A_153, %while3A_392 = %broadcast_in_dim3A_153, %while3A_393 = %broadcast_in_dim3A_153, %while3A_394 = %broadcast_in_dim3A_153, %while3A_395 = %broadcast_in_dim3A_153, %while3A_396 = %broadcast_in_dim3A_153, %while3A_397 = %broadcast_in_dim3A_153, %while3A_398 = %scan3A_85, %while3A_399 = %scan3A_86) -> (vector<16xf32>, vector<16xf32>, vector<16xf32>, vector<16xf32>, vector<16xf32>, vector<16xf32>, vector<16xf32>, vector<16xf32>, vector<16xf32>, vector<16xf32>, vector<16xf32>, vector<16xf32>, vector<16xf32>, vector<16xf32>, vector<16xf32>, vector<16xf32>, vector<16xf32>, vector<16xf32>, vector<16xf32>, vector<16xf32>, vector<16xf32>, vector<16xf32>, vector<16xf32>, vector<16xf32>, vector<16xf32>, i32, i32)  : i32 {
        %le3A = arith.cmpi sle, %while3A_398, %while3A_372 : i32
        %convert_element_type3A_400 = arith.extui %le3A : i1 to i32
        %cond3A_401 = arith.constant 0 : i32
        %cond3A_402 = arith.cmpi ne, %convert_element_type3A_400, %cond3A_401 : i32
        %cond3A_403 = scf.if %cond3A_402 -> (i32) {
          %jit3A_457 = arith.constant 3 : i32
          %eq3A_458 = arith.constant 0 : i32
          %eq3A_459 = arith.cmpi eq, %jit3A_457, %eq3A_458 : i32
          %jit3A_460 = arith.constant 1 : i32
          %select_n3A_461 = arith.select %eq3A_459, %jit3A_460, %jit3A_457 : i32
          %rem3A_462 = arith.remsi %while3A_372, %select_n3A_461 : i32
          %ne3A_463 = arith.constant 0 : i32
          %ne3A_464 = arith.cmpi ne, %rem3A_462, %ne3A_463 : i32
          %lt3A_465 = arith.constant 0 : i32
          %lt3A_466 = arith.cmpi slt, %rem3A_462, %lt3A_465 : i32
          %lt3A_467 = arith.constant 0 : i32
          %lt3A_468 = arith.cmpi slt, %select_n3A_461, %lt3A_467 : i32
          %ne3A_469 = arith.xori %lt3A_466, %lt3A_468 : i1
          %and3A_470 = arith.andi %ne3A_469, %ne3A_464 : i1
          %add3A_471 = arith.addi %rem3A_462, %select_n3A_461 : i32
          %select_n3A_472 = arith.select %and3A_470, %add3A_471, %rem3A_462 : i32
          %mul3A_473 = arith.constant 32768 : i32
          %mul3A_474 = arith.muli %select_n3A_472, %mul3A_473 : i32
          %dma_wait3A = tpu.memref_slice %arg9[%mul3A_474] : memref<98304xf32, #tpu.memory_space<vmem>> -> memref<32768xf32, #tpu.memory_space<vmem>>
          %dma_wait3A_475 = arith.constant 0 : i32
          %dma_wait3A_476 = tpu.memref_slice %arg2[%dma_wait3A_475] : memref<12800000xf32, #tpu.memory_space<hbm>> -> memref<32768xf32, #tpu.memory_space<hbm>>
          %dma_wait3A_477 = tpu.memref_slice %arg16[%select_n3A_472] : memref<3x!tpu.dma_semaphore, #tpu.memory_space<semaphore_mem>> -> memref<1x!tpu.dma_semaphore, #tpu.memory_space<semaphore_mem>>
          %dma_wait3A_478 = tpu.memref_squeeze %dma_wait3A_477 : memref<1x!tpu.dma_semaphore, #tpu.memory_space<semaphore_mem>> -> memref<!tpu.dma_semaphore, #tpu.memory_space<semaphore_mem>>
          %dma_wait3A_479 = tpu.memref_slice %arg9[%mul3A_474] : memref<98304xf32, #tpu.memory_space<vmem>> -> memref<32768xf32, #tpu.memory_space<vmem>>
          %dma_wait3A_480 = arith.constant 0 : i32
          %dma_wait3A_481 = tpu.memref_slice %arg2[%dma_wait3A_480] : memref<12800000xf32, #tpu.memory_space<hbm>> -> memref<32768xf32, #tpu.memory_space<hbm>>
          tpu.wait_dma2 semaphore(%dma_wait3A_478 : memref<!tpu.dma_semaphore, #tpu.memory_space<semaphore_mem>>) src(%dma_wait3A_481 : memref<32768xf32, #tpu.memory_space<hbm>>) dst(%dma_wait3A_479 : memref<32768xf32, #tpu.memory_space<vmem>>)
          %mul3A_482 = arith.constant 272 : i32
          %mul3A_483 = arith.muli %select_n3A_472, %mul3A_482 : i32
          %dma_wait3A_484 = tpu.memref_slice %arg10[%mul3A_483] : memref<816xf32, #tpu.memory_space<vmem>> -> memref<256xf32, #tpu.memory_space<vmem>>
          %dma_wait3A_485 = arith.constant 0 : i32
          %dma_wait3A_486 = tpu.memref_slice %arg3[%dma_wait3A_485] : memref<106496xf32, #tpu.memory_space<hbm>> -> memref<256xf32, #tpu.memory_space<hbm>>
          %dma_wait3A_487 = tpu.memref_slice %arg17[%select_n3A_472] : memref<3x!tpu.dma_semaphore, #tpu.memory_space<semaphore_mem>> -> memref<1x!tpu.dma_semaphore, #tpu.memory_space<semaphore_mem>>
          %dma_wait3A_488 = tpu.memref_squeeze %dma_wait3A_487 : memref<1x!tpu.dma_semaphore, #tpu.memory_space<semaphore_mem>> -> memref<!tpu.dma_semaphore, #tpu.memory_space<semaphore_mem>>
          %dma_wait3A_489 = tpu.memref_slice %arg10[%mul3A_483] : memref<816xf32, #tpu.memory_space<vmem>> -> memref<256xf32, #tpu.memory_space<vmem>>
          %dma_wait3A_490 = arith.constant 0 : i32
          %dma_wait3A_491 = tpu.memref_slice %arg3[%dma_wait3A_490] : memref<106496xf32, #tpu.memory_space<hbm>> -> memref<256xf32, #tpu.memory_space<hbm>>
          tpu.wait_dma2 semaphore(%dma_wait3A_488 : memref<!tpu.dma_semaphore, #tpu.memory_space<semaphore_mem>>) src(%dma_wait3A_491 : memref<256xf32, #tpu.memory_space<hbm>>) dst(%dma_wait3A_489 : memref<256xf32, #tpu.memory_space<vmem>>)
          %add3A_492 = arith.constant 1 : i32
          %add3A_493 = arith.addi %while3A_372, %add3A_492 : i32
          scf.yield %add3A_493 : i32
        } else {
          scf.yield %while3A_398 : i32
        }
        %add3A_404 = arith.constant 2 : i32
        %add3A_405 = arith.addi %while3A_372, %add3A_404 : i32
        %le3A_406 = arith.cmpi sle, %while3A_399, %add3A_405 : i32
        %add3A_407 = arith.constant 2 : i32
        %add3A_408 = arith.addi %while3A_372, %add3A_407 : i32
        %lt3A = arith.cmpi slt, %add3A_408, %select_n3A_60 : i32
        %and3A_409 = arith.andi %le3A_406, %lt3A : i1
        %convert_element_type3A_410 = arith.extui %and3A_409 : i1 to i32
        %cond3A_411 = arith.constant 0 : i32
        %cond3A_412 = arith.cmpi ne, %convert_element_type3A_410, %cond3A_411 : i32
        %cond3A_413 = scf.if %cond3A_412 -> (i32) {
          %add3A_457 = arith.constant 2 : i32
          %add3A_458 = arith.addi %while3A_372, %add3A_457 : i32
          %mul3A_459 = arith.constant 256 : i32
          %mul3A_460 = arith.muli %add3A_458, %mul3A_459 : i32
          %add3A_461 = arith.addi %mul3A_29, %mul3A_460 : i32
          %min3A_462 = arith.constant 99744 : i32
          %min3A_463 = arith.minsi %add3A_461, %min3A_462 : i32
          %jit3A_464 = arith.constant 3 : i32
          %eq3A_465 = arith.constant 0 : i32
          %eq3A_466 = arith.cmpi eq, %jit3A_464, %eq3A_465 : i32
          %jit3A_467 = arith.constant 1 : i32
          %select_n3A_468 = arith.select %eq3A_466, %jit3A_467, %jit3A_464 : i32
          %rem3A_469 = arith.remsi %add3A_458, %select_n3A_468 : i32
          %ne3A_470 = arith.constant 0 : i32
          %ne3A_471 = arith.cmpi ne, %rem3A_469, %ne3A_470 : i32
          %lt3A_472 = arith.constant 0 : i32
          %lt3A_473 = arith.cmpi slt, %rem3A_469, %lt3A_472 : i32
          %lt3A_474 = arith.constant 0 : i32
          %lt3A_475 = arith.cmpi slt, %select_n3A_468, %lt3A_474 : i32
          %ne3A_476 = arith.xori %lt3A_473, %lt3A_475 : i1
          %and3A_477 = arith.andi %ne3A_476, %ne3A_471 : i1
          %add3A_478 = arith.addi %rem3A_469, %select_n3A_468 : i32
          %select_n3A_479 = arith.select %and3A_477, %add3A_478, %rem3A_469 : i32
          %mul3A_480 = arith.constant 128 : i32
          %mul3A_481 = arith.muli %min3A_463, %mul3A_480 : i32
          %mul3A_482 = arith.constant 32768 : i32
          %mul3A_483 = arith.muli %select_n3A_479, %mul3A_482 : i32
          %dma_start3A = tpu.memref_slice %arg9[%mul3A_483] : memref<98304xf32, #tpu.memory_space<vmem>> -> memref<32768xf32, #tpu.memory_space<vmem>>
          %dma_start3A_484 = tpu.memref_slice %arg2[%mul3A_481] : memref<12800000xf32, #tpu.memory_space<hbm>> -> memref<32768xf32, #tpu.memory_space<hbm>>
          %dma_start3A_485 = tpu.memref_slice %arg16[%select_n3A_479] : memref<3x!tpu.dma_semaphore, #tpu.memory_space<semaphore_mem>> -> memref<1x!tpu.dma_semaphore, #tpu.memory_space<semaphore_mem>>
          %dma_start3A_486 = tpu.memref_squeeze %dma_start3A_485 : memref<1x!tpu.dma_semaphore, #tpu.memory_space<semaphore_mem>> -> memref<!tpu.dma_semaphore, #tpu.memory_space<semaphore_mem>>
          %dma_start3A_487 = tpu.memref_slice %arg9[%mul3A_483] : memref<98304xf32, #tpu.memory_space<vmem>> -> memref<32768xf32, #tpu.memory_space<vmem>>
          %dma_start3A_488 = tpu.memref_slice %arg2[%mul3A_481] : memref<12800000xf32, #tpu.memory_space<hbm>> -> memref<32768xf32, #tpu.memory_space<hbm>>
          tpu.enqueue_dma source(%dma_start3A_488 : memref<32768xf32, #tpu.memory_space<hbm>>) target(%dma_start3A_487 : memref<32768xf32, #tpu.memory_space<vmem>>) target_semaphore(%dma_start3A_486 : memref<!tpu.dma_semaphore, #tpu.memory_space<semaphore_mem>>)
          %mul3A_489 = arith.constant 272 : i32
          %mul3A_490 = arith.muli %select_n3A_479, %mul3A_489 : i32
          %dma_start3A_491 = tpu.memref_slice %arg10[%mul3A_490] : memref<816xf32, #tpu.memory_space<vmem>> -> memref<256xf32, #tpu.memory_space<vmem>>
          %dma_start3A_492 = tpu.memref_slice %arg3[%min3A_463] : memref<106496xf32, #tpu.memory_space<hbm>> -> memref<256xf32, #tpu.memory_space<hbm>>
          %dma_start3A_493 = tpu.memref_slice %arg17[%select_n3A_479] : memref<3x!tpu.dma_semaphore, #tpu.memory_space<semaphore_mem>> -> memref<1x!tpu.dma_semaphore, #tpu.memory_space<semaphore_mem>>
          %dma_start3A_494 = tpu.memref_squeeze %dma_start3A_493 : memref<1x!tpu.dma_semaphore, #tpu.memory_space<semaphore_mem>> -> memref<!tpu.dma_semaphore, #tpu.memory_space<semaphore_mem>>
          %dma_start3A_495 = tpu.memref_slice %arg10[%mul3A_490] : memref<816xf32, #tpu.memory_space<vmem>> -> memref<256xf32, #tpu.memory_space<vmem>>
          %dma_start3A_496 = tpu.memref_slice %arg3[%min3A_463] : memref<106496xf32, #tpu.memory_space<hbm>> -> memref<256xf32, #tpu.memory_space<hbm>>
          tpu.enqueue_dma source(%dma_start3A_496 : memref<256xf32, #tpu.memory_space<hbm>>) target(%dma_start3A_495 : memref<256xf32, #tpu.memory_space<vmem>>) target_semaphore(%dma_start3A_494 : memref<!tpu.dma_semaphore, #tpu.memory_space<semaphore_mem>>)
          %add3A_497 = arith.constant 3 : i32
          %add3A_498 = arith.addi %while3A_372, %add3A_497 : i32
          scf.yield %add3A_498 : i32
        } else {
          scf.yield %while3A_399 : i32
        }
        %mul3A_414 = arith.constant 256 : i32
        %mul3A_415 = arith.muli %while3A_372, %mul3A_414 : i32
        %add3A_416 = arith.addi %mul3A_29, %mul3A_415 : i32
        %min3A_417 = arith.constant 99744 : i32
        %min3A_418 = arith.minsi %add3A_416, %min3A_417 : i32
        %mul3A_419 = arith.constant 256 : i32
        %mul3A_420 = arith.muli %while3A_372, %mul3A_419 : i32
        %add3A_421 = arith.addi %mul3A_29, %mul3A_420 : i32
        %max3A = arith.maxsi %squeeze3A_92, %add3A_421 : i32
        %add3A_422 = arith.constant 1 : i32
        %add3A_423 = arith.addi %while3A_372, %add3A_422 : i32
        %mul3A_424 = arith.constant 256 : i32
        %mul3A_425 = arith.muli %add3A_423, %mul3A_424 : i32
        %add3A_426 = arith.addi %mul3A_29, %mul3A_425 : i32
        %min3A_427 = arith.minsi %squeeze3A_94, %add3A_426 : i32
        %jit3A_428 = arith.constant 3 : i32
        %eq3A = arith.constant 0 : i32
        %eq3A_429 = arith.cmpi eq, %jit3A_428, %eq3A : i32
        %jit3A_430 = arith.constant 1 : i32
        %select_n3A_431 = arith.select %eq3A_429, %jit3A_430, %jit3A_428 : i32
        %rem3A_432 = arith.remsi %while3A_372, %select_n3A_431 : i32
        %ne3A_433 = arith.constant 0 : i32
        %ne3A_434 = arith.cmpi ne, %rem3A_432, %ne3A_433 : i32
        %lt3A_435 = arith.constant 0 : i32
        %lt3A_436 = arith.cmpi slt, %rem3A_432, %lt3A_435 : i32
        %lt3A_437 = arith.constant 0 : i32
        %lt3A_438 = arith.cmpi slt, %select_n3A_431, %lt3A_437 : i32
        %ne3A_439 = arith.xori %lt3A_436, %lt3A_438 : i1
        %and3A_440 = arith.andi %ne3A_439, %ne3A_434 : i1
        %add3A_441 = arith.addi %rem3A_432, %select_n3A_431 : i32
        %select_n3A_442 = arith.select %and3A_440, %add3A_441, %rem3A_432 : i32
        %mul3A_443 = arith.constant 32768 : i32
        %mul3A_444 = arith.muli %select_n3A_442, %mul3A_443 : i32
        %mul3A_445 = arith.constant 272 : i32
        %mul3A_446 = arith.muli %select_n3A_442, %mul3A_445 : i32
        %while3A_447 = arith.subi %min3A_427, %max3A : i32
        %while3A_448 = arith.addi %max3A, %while3A_447 : i32
        %while3A_449 = arith.constant 1 : i32
        %while3A_450 = arith.divsi %while3A_447, %while3A_449 : i32
        %while3A_451 = arith.muli %while3A_450, %while3A_449 : i32
        %while3A_452 = arith.addi %max3A, %while3A_451 : i32
        %while3A_453 = arith.constant 1 : i32
        %while3A_454:25 = scf.for %while3A_457 = %max3A to %while3A_452 step %while3A_453 iter_args(%while3A_458 = %while3A_373, %while3A_459 = %while3A_374, %while3A_460 = %while3A_375, %while3A_461 = %while3A_376, %while3A_462 = %while3A_377, %while3A_463 = %while3A_378, %while3A_464 = %while3A_379, %while3A_465 = %while3A_380, %while3A_466 = %while3A_381, %while3A_467 = %while3A_382, %while3A_468 = %while3A_383, %while3A_469 = %while3A_384, %while3A_470 = %while3A_385, %while3A_471 = %while3A_386, %while3A_472 = %while3A_387, %while3A_473 = %while3A_388, %while3A_474 = %while3A_389, %while3A_475 = %while3A_390, %while3A_476 = %while3A_391, %while3A_477 = %while3A_392, %while3A_478 = %while3A_393, %while3A_479 = %while3A_394, %while3A_480 = %while3A_395, %while3A_481 = %while3A_396, %while3A_482 = %while3A_397) -> (vector<16xf32>, vector<16xf32>, vector<16xf32>, vector<16xf32>, vector<16xf32>, vector<16xf32>, vector<16xf32>, vector<16xf32>, vector<16xf32>, vector<16xf32>, vector<16xf32>, vector<16xf32>, vector<16xf32>, vector<16xf32>, vector<16xf32>, vector<16xf32>, vector<16xf32>, vector<16xf32>, vector<16xf32>, vector<16xf32>, vector<16xf32>, vector<16xf32>, vector<16xf32>, vector<16xf32>, vector<16xf32>)  : i32 {
          %sub3A_483 = arith.subi %while3A_457, %min3A_418 : i32
          %add3A_484 = arith.addi %mul3A_446, %sub3A_483 : i32
          %get3A_485 = arith.index_cast %add3A_484 : i32 to index
          %get3A_486 = tpu.vector_load %arg10[%get3A_485] {strides = array<i32>} : memref<816xf32, #tpu.memory_space<vmem>>, vector<16xf32>,
          %get3A_487 = vector.shape_cast %get3A_486 : vector<16xf32> to vector<16xf32>
          %slice3A_488 = vector.extract_strided_slice %get3A_487 {offsets = [0], sizes = [1], strides = [1]} : vector<16xf32> to vector<1xf32>
          %squeeze3A_489 = vector.extract %slice3A_488[0] : f32 from vector<1xf32>
          %broadcast_in_dim3A_490 = vector.broadcast %squeeze3A_489 : f32 to vector<16xf32>
          %exp3A = math.exp %broadcast_in_dim3A_490 : vector<16xf32>
          %mul3A_491 = arith.constant 128 : i32
          %mul3A_492 = arith.muli %sub3A_483, %mul3A_491 : i32
          %add3A_493 = arith.addi %mul3A_444, %mul3A_492 : i32
          %add3A_494 = arith.constant 0 : i32
          %add3A_495 = arith.addi %add3A_493, %add3A_494 : i32
          %get3A_496 = arith.index_cast %add3A_495 : i32 to index
          %get3A_497 = tpu.vector_load %arg9[%get3A_496] {strides = array<i32>} : memref<98304xf32, #tpu.memory_space<vmem>>, vector<16xf32>,
          %get3A_498 = vector.shape_cast %get3A_497 : vector<16xf32> to vector<16xf32>
          %add3A_499 = arith.addf %while3A_458, %get3A_498 : vector<16xf32>
          %max3A_500 = arith.maximumf %while3A_466, %get3A_498 : vector<16xf32>
          %mul3A_501 = arith.mulf %exp3A, %get3A_498 : vector<16xf32>
          %add3A_502 = arith.addf %while3A_474, %mul3A_501 : vector<16xf32>
          %mul3A_503 = arith.constant 128 : i32
          %mul3A_504 = arith.muli %sub3A_483, %mul3A_503 : i32
          %add3A_505 = arith.addi %mul3A_444, %mul3A_504 : i32
          %add3A_506 = arith.constant 16 : i32
          %add3A_507 = arith.addi %add3A_505, %add3A_506 : i32
          %get3A_508 = arith.index_cast %add3A_507 : i32 to index
          %get3A_509 = tpu.vector_load %arg9[%get3A_508] {strides = array<i32>} : memref<98304xf32, #tpu.memory_space<vmem>>, vector<16xf32>,
          %get3A_510 = vector.shape_cast %get3A_509 : vector<16xf32> to vector<16xf32>
          %add3A_511 = arith.addf %while3A_459, %get3A_510 : vector<16xf32>
          %max3A_512 = arith.maximumf %while3A_467, %get3A_510 : vector<16xf32>
          %mul3A_513 = arith.mulf %exp3A, %get3A_510 : vector<16xf32>
          %add3A_514 = arith.addf %while3A_475, %mul3A_513 : vector<16xf32>
          %mul3A_515 = arith.constant 128 : i32
          %mul3A_516 = arith.muli %sub3A_483, %mul3A_515 : i32
          %add3A_517 = arith.addi %mul3A_444, %mul3A_516 : i32
          %add3A_518 = arith.constant 32 : i32
          %add3A_519 = arith.addi %add3A_517, %add3A_518 : i32
          %get3A_520 = arith.index_cast %add3A_519 : i32 to index
          %get3A_521 = tpu.vector_load %arg9[%get3A_520] {strides = array<i32>} : memref<98304xf32, #tpu.memory_space<vmem>>, vector<16xf32>,
          %get3A_522 = vector.shape_cast %get3A_521 : vector<16xf32> to vector<16xf32>
          %add3A_523 = arith.addf %while3A_460, %get3A_522 : vector<16xf32>
          %max3A_524 = arith.maximumf %while3A_468, %get3A_522 : vector<16xf32>
          %mul3A_525 = arith.mulf %exp3A, %get3A_522 : vector<16xf32>
          %add3A_526 = arith.addf %while3A_476, %mul3A_525 : vector<16xf32>
          %mul3A_527 = arith.constant 128 : i32
          %mul3A_528 = arith.muli %sub3A_483, %mul3A_527 : i32
          %add3A_529 = arith.addi %mul3A_444, %mul3A_528 : i32
          %add3A_530 = arith.constant 48 : i32
          %add3A_531 = arith.addi %add3A_529, %add3A_530 : i32
          %get3A_532 = arith.index_cast %add3A_531 : i32 to index
          %get3A_533 = tpu.vector_load %arg9[%get3A_532] {strides = array<i32>} : memref<98304xf32, #tpu.memory_space<vmem>>, vector<16xf32>,
          %get3A_534 = vector.shape_cast %get3A_533 : vector<16xf32> to vector<16xf32>
          %add3A_535 = arith.addf %while3A_461, %get3A_534 : vector<16xf32>
          %max3A_536 = arith.maximumf %while3A_469, %get3A_534 : vector<16xf32>
          %mul3A_537 = arith.mulf %exp3A, %get3A_534 : vector<16xf32>
          %add3A_538 = arith.addf %while3A_477, %mul3A_537 : vector<16xf32>
          %mul3A_539 = arith.constant 128 : i32
          %mul3A_540 = arith.muli %sub3A_483, %mul3A_539 : i32
          %add3A_541 = arith.addi %mul3A_444, %mul3A_540 : i32
          %add3A_542 = arith.constant 64 : i32
          %add3A_543 = arith.addi %add3A_541, %add3A_542 : i32
          %get3A_544 = arith.index_cast %add3A_543 : i32 to index
          %get3A_545 = tpu.vector_load %arg9[%get3A_544] {strides = array<i32>} : memref<98304xf32, #tpu.memory_space<vmem>>, vector<16xf32>,
          %get3A_546 = vector.shape_cast %get3A_545 : vector<16xf32> to vector<16xf32>
          %add3A_547 = arith.addf %while3A_462, %get3A_546 : vector<16xf32>
          %max3A_548 = arith.maximumf %while3A_470, %get3A_546 : vector<16xf32>
          %mul3A_549 = arith.mulf %exp3A, %get3A_546 : vector<16xf32>
          %add3A_550 = arith.addf %while3A_478, %mul3A_549 : vector<16xf32>
          %mul3A_551 = arith.constant 128 : i32
          %mul3A_552 = arith.muli %sub3A_483, %mul3A_551 : i32
          %add3A_553 = arith.addi %mul3A_444, %mul3A_552 : i32
          %add3A_554 = arith.constant 80 : i32
          %add3A_555 = arith.addi %add3A_553, %add3A_554 : i32
          %get3A_556 = arith.index_cast %add3A_555 : i32 to index
          %get3A_557 = tpu.vector_load %arg9[%get3A_556] {strides = array<i32>} : memref<98304xf32, #tpu.memory_space<vmem>>, vector<16xf32>,
          %get3A_558 = vector.shape_cast %get3A_557 : vector<16xf32> to vector<16xf32>
          %add3A_559 = arith.addf %while3A_463, %get3A_558 : vector<16xf32>
          %max3A_560 = arith.maximumf %while3A_471, %get3A_558 : vector<16xf32>
          %mul3A_561 = arith.mulf %exp3A, %get3A_558 : vector<16xf32>
          %add3A_562 = arith.addf %while3A_479, %mul3A_561 : vector<16xf32>
          %mul3A_563 = arith.constant 128 : i32
          %mul3A_564 = arith.muli %sub3A_483, %mul3A_563 : i32
          %add3A_565 = arith.addi %mul3A_444, %mul3A_564 : i32
          %add3A_566 = arith.constant 96 : i32
          %add3A_567 = arith.addi %add3A_565, %add3A_566 : i32
          %get3A_568 = arith.index_cast %add3A_567 : i32 to index
          %get3A_569 = tpu.vector_load %arg9[%get3A_568] {strides = array<i32>} : memref<98304xf32, #tpu.memory_space<vmem>>, vector<16xf32>,
          %get3A_570 = vector.shape_cast %get3A_569 : vector<16xf32> to vector<16xf32>
          %add3A_571 = arith.addf %while3A_464, %get3A_570 : vector<16xf32>
          %max3A_572 = arith.maximumf %while3A_472, %get3A_570 : vector<16xf32>
          %mul3A_573 = arith.mulf %exp3A, %get3A_570 : vector<16xf32>
          %add3A_574 = arith.addf %while3A_480, %mul3A_573 : vector<16xf32>
          %mul3A_575 = arith.constant 128 : i32
          %mul3A_576 = arith.muli %sub3A_483, %mul3A_575 : i32
          %add3A_577 = arith.addi %mul3A_444, %mul3A_576 : i32
          %add3A_578 = arith.constant 112 : i32
          %add3A_579 = arith.addi %add3A_577, %add3A_578 : i32
          %get3A_580 = arith.index_cast %add3A_579 : i32 to index
          %get3A_581 = tpu.vector_load %arg9[%get3A_580] {strides = array<i32>} : memref<98304xf32, #tpu.memory_space<vmem>>, vector<16xf32>,
          %get3A_582 = vector.shape_cast %get3A_581 : vector<16xf32> to vector<16xf32>
          %add3A_583 = arith.addf %while3A_465, %get3A_582 : vector<16xf32>
          %max3A_584 = arith.maximumf %while3A_473, %get3A_582 : vector<16xf32>
          %mul3A_585 = arith.mulf %exp3A, %get3A_582 : vector<16xf32>
          %add3A_586 = arith.addf %while3A_481, %mul3A_585 : vector<16xf32>
          %add3A_587 = arith.addf %while3A_482, %exp3A : vector<16xf32>
          scf.yield %add3A_499, %add3A_511, %add3A_523, %add3A_535, %add3A_547, %add3A_559, %add3A_571, %add3A_583, %max3A_500, %max3A_512, %max3A_524, %max3A_536, %max3A_548, %max3A_560, %max3A_572, %max3A_584, %add3A_502, %add3A_514, %add3A_526, %add3A_538, %add3A_550, %add3A_562, %add3A_574, %add3A_586, %add3A_587 : vector<16xf32>, vector<16xf32>, vector<16xf32>, vector<16xf32>, vector<16xf32>, vector<16xf32>, vector<16xf32>, vector<16xf32>, vector<16xf32>, vector<16xf32>, vector<16xf32>, vector<16xf32>, vector<16xf32>, vector<16xf32>, vector<16xf32>, vector<16xf32>, vector<16xf32>, vector<16xf32>, vector<16xf32>, vector<16xf32>, vector<16xf32>, vector<16xf32>, vector<16xf32>, vector<16xf32>, vector<16xf32>
        }
        %while3A_455 = arith.constant 1 : i32
        %while3A_456:25 = scf.for %while3A_457 = %while3A_452 to %while3A_448 step %while3A_455 iter_args(%while3A_458 = %while3A_454#0, %while3A_459 = %while3A_454#1, %while3A_460 = %while3A_454#2, %while3A_461 = %while3A_454#3, %while3A_462 = %while3A_454#4, %while3A_463 = %while3A_454#5, %while3A_464 = %while3A_454#6, %while3A_465 = %while3A_454#7, %while3A_466 = %while3A_454#8, %while3A_467 = %while3A_454#9, %while3A_468 = %while3A_454#10, %while3A_469 = %while3A_454#11, %while3A_470 = %while3A_454#12, %while3A_471 = %while3A_454#13, %while3A_472 = %while3A_454#14, %while3A_473 = %while3A_454#15, %while3A_474 = %while3A_454#16, %while3A_475 = %while3A_454#17, %while3A_476 = %while3A_454#18, %while3A_477 = %while3A_454#19, %while3A_478 = %while3A_454#20, %while3A_479 = %while3A_454#21, %while3A_480 = %while3A_454#22, %while3A_481 = %while3A_454#23, %while3A_482 = %while3A_454#24) -> (vector<16xf32>, vector<16xf32>, vector<16xf32>, vector<16xf32>, vector<16xf32>, vector<16xf32>, vector<16xf32>, vector<16xf32>, vector<16xf32>, vector<16xf32>, vector<16xf32>, vector<16xf32>, vector<16xf32>, vector<16xf32>, vector<16xf32>, vector<16xf32>, vector<16xf32>, vector<16xf32>, vector<16xf32>, vector<16xf32>, vector<16xf32>, vector<16xf32>, vector<16xf32>, vector<16xf32>, vector<16xf32>)  : i32 {
          %sub3A_483 = arith.subi %while3A_457, %min3A_418 : i32
          %add3A_484 = arith.addi %mul3A_446, %sub3A_483 : i32
          %get3A_485 = arith.index_cast %add3A_484 : i32 to index
          %get3A_486 = tpu.vector_load %arg10[%get3A_485] {strides = array<i32>} : memref<816xf32, #tpu.memory_space<vmem>>, vector<16xf32>,
          %get3A_487 = vector.shape_cast %get3A_486 : vector<16xf32> to vector<16xf32>
          %slice3A_488 = vector.extract_strided_slice %get3A_487 {offsets = [0], sizes = [1], strides = [1]} : vector<16xf32> to vector<1xf32>
          %squeeze3A_489 = vector.extract %slice3A_488[0] : f32 from vector<1xf32>
          %broadcast_in_dim3A_490 = vector.broadcast %squeeze3A_489 : f32 to vector<16xf32>
          %exp3A = math.exp %broadcast_in_dim3A_490 : vector<16xf32>
          %mul3A_491 = arith.constant 128 : i32
          %mul3A_492 = arith.muli %sub3A_483, %mul3A_491 : i32
          %add3A_493 = arith.addi %mul3A_444, %mul3A_492 : i32
          %add3A_494 = arith.constant 0 : i32
          %add3A_495 = arith.addi %add3A_493, %add3A_494 : i32
          %get3A_496 = arith.index_cast %add3A_495 : i32 to index
          %get3A_497 = tpu.vector_load %arg9[%get3A_496] {strides = array<i32>} : memref<98304xf32, #tpu.memory_space<vmem>>, vector<16xf32>,
          %get3A_498 = vector.shape_cast %get3A_497 : vector<16xf32> to vector<16xf32>
          %add3A_499 = arith.addf %while3A_458, %get3A_498 : vector<16xf32>
          %max3A_500 = arith.maximumf %while3A_466, %get3A_498 : vector<16xf32>
          %mul3A_501 = arith.mulf %exp3A, %get3A_498 : vector<16xf32>
          %add3A_502 = arith.addf %while3A_474, %mul3A_501 : vector<16xf32>
          %mul3A_503 = arith.constant 128 : i32
          %mul3A_504 = arith.muli %sub3A_483, %mul3A_503 : i32
          %add3A_505 = arith.addi %mul3A_444, %mul3A_504 : i32
          %add3A_506 = arith.constant 16 : i32
          %add3A_507 = arith.addi %add3A_505, %add3A_506 : i32
          %get3A_508 = arith.index_cast %add3A_507 : i32 to index
          %get3A_509 = tpu.vector_load %arg9[%get3A_508] {strides = array<i32>} : memref<98304xf32, #tpu.memory_space<vmem>>, vector<16xf32>,
          %get3A_510 = vector.shape_cast %get3A_509 : vector<16xf32> to vector<16xf32>
          %add3A_511 = arith.addf %while3A_459, %get3A_510 : vector<16xf32>
          %max3A_512 = arith.maximumf %while3A_467, %get3A_510 : vector<16xf32>
          %mul3A_513 = arith.mulf %exp3A, %get3A_510 : vector<16xf32>
          %add3A_514 = arith.addf %while3A_475, %mul3A_513 : vector<16xf32>
          %mul3A_515 = arith.constant 128 : i32
          %mul3A_516 = arith.muli %sub3A_483, %mul3A_515 : i32
          %add3A_517 = arith.addi %mul3A_444, %mul3A_516 : i32
          %add3A_518 = arith.constant 32 : i32
          %add3A_519 = arith.addi %add3A_517, %add3A_518 : i32
          %get3A_520 = arith.index_cast %add3A_519 : i32 to index
          %get3A_521 = tpu.vector_load %arg9[%get3A_520] {strides = array<i32>} : memref<98304xf32, #tpu.memory_space<vmem>>, vector<16xf32>,
          %get3A_522 = vector.shape_cast %get3A_521 : vector<16xf32> to vector<16xf32>
          %add3A_523 = arith.addf %while3A_460, %get3A_522 : vector<16xf32>
          %max3A_524 = arith.maximumf %while3A_468, %get3A_522 : vector<16xf32>
          %mul3A_525 = arith.mulf %exp3A, %get3A_522 : vector<16xf32>
          %add3A_526 = arith.addf %while3A_476, %mul3A_525 : vector<16xf32>
          %mul3A_527 = arith.constant 128 : i32
          %mul3A_528 = arith.muli %sub3A_483, %mul3A_527 : i32
          %add3A_529 = arith.addi %mul3A_444, %mul3A_528 : i32
          %add3A_530 = arith.constant 48 : i32
          %add3A_531 = arith.addi %add3A_529, %add3A_530 : i32
          %get3A_532 = arith.index_cast %add3A_531 : i32 to index
          %get3A_533 = tpu.vector_load %arg9[%get3A_532] {strides = array<i32>} : memref<98304xf32, #tpu.memory_space<vmem>>, vector<16xf32>,
          %get3A_534 = vector.shape_cast %get3A_533 : vector<16xf32> to vector<16xf32>
          %add3A_535 = arith.addf %while3A_461, %get3A_534 : vector<16xf32>
          %max3A_536 = arith.maximumf %while3A_469, %get3A_534 : vector<16xf32>
          %mul3A_537 = arith.mulf %exp3A, %get3A_534 : vector<16xf32>
          %add3A_538 = arith.addf %while3A_477, %mul3A_537 : vector<16xf32>
          %mul3A_539 = arith.constant 128 : i32
          %mul3A_540 = arith.muli %sub3A_483, %mul3A_539 : i32
          %add3A_541 = arith.addi %mul3A_444, %mul3A_540 : i32
          %add3A_542 = arith.constant 64 : i32
          %add3A_543 = arith.addi %add3A_541, %add3A_542 : i32
          %get3A_544 = arith.index_cast %add3A_543 : i32 to index
          %get3A_545 = tpu.vector_load %arg9[%get3A_544] {strides = array<i32>} : memref<98304xf32, #tpu.memory_space<vmem>>, vector<16xf32>,
          %get3A_546 = vector.shape_cast %get3A_545 : vector<16xf32> to vector<16xf32>
          %add3A_547 = arith.addf %while3A_462, %get3A_546 : vector<16xf32>
          %max3A_548 = arith.maximumf %while3A_470, %get3A_546 : vector<16xf32>
          %mul3A_549 = arith.mulf %exp3A, %get3A_546 : vector<16xf32>
          %add3A_550 = arith.addf %while3A_478, %mul3A_549 : vector<16xf32>
          %mul3A_551 = arith.constant 128 : i32
          %mul3A_552 = arith.muli %sub3A_483, %mul3A_551 : i32
          %add3A_553 = arith.addi %mul3A_444, %mul3A_552 : i32
          %add3A_554 = arith.constant 80 : i32
          %add3A_555 = arith.addi %add3A_553, %add3A_554 : i32
          %get3A_556 = arith.index_cast %add3A_555 : i32 to index
          %get3A_557 = tpu.vector_load %arg9[%get3A_556] {strides = array<i32>} : memref<98304xf32, #tpu.memory_space<vmem>>, vector<16xf32>,
          %get3A_558 = vector.shape_cast %get3A_557 : vector<16xf32> to vector<16xf32>
          %add3A_559 = arith.addf %while3A_463, %get3A_558 : vector<16xf32>
          %max3A_560 = arith.maximumf %while3A_471, %get3A_558 : vector<16xf32>
          %mul3A_561 = arith.mulf %exp3A, %get3A_558 : vector<16xf32>
          %add3A_562 = arith.addf %while3A_479, %mul3A_561 : vector<16xf32>
          %mul3A_563 = arith.constant 128 : i32
          %mul3A_564 = arith.muli %sub3A_483, %mul3A_563 : i32
          %add3A_565 = arith.addi %mul3A_444, %mul3A_564 : i32
          %add3A_566 = arith.constant 96 : i32
          %add3A_567 = arith.addi %add3A_565, %add3A_566 : i32
          %get3A_568 = arith.index_cast %add3A_567 : i32 to index
          %get3A_569 = tpu.vector_load %arg9[%get3A_568] {strides = array<i32>} : memref<98304xf32, #tpu.memory_space<vmem>>, vector<16xf32>,
          %get3A_570 = vector.shape_cast %get3A_569 : vector<16xf32> to vector<16xf32>
          %add3A_571 = arith.addf %while3A_464, %get3A_570 : vector<16xf32>
          %max3A_572 = arith.maximumf %while3A_472, %get3A_570 : vector<16xf32>
          %mul3A_573 = arith.mulf %exp3A, %get3A_570 : vector<16xf32>
          %add3A_574 = arith.addf %while3A_480, %mul3A_573 : vector<16xf32>
          %mul3A_575 = arith.constant 128 : i32
          %mul3A_576 = arith.muli %sub3A_483, %mul3A_575 : i32
          %add3A_577 = arith.addi %mul3A_444, %mul3A_576 : i32
          %add3A_578 = arith.constant 112 : i32
          %add3A_579 = arith.addi %add3A_577, %add3A_578 : i32
          %get3A_580 = arith.index_cast %add3A_579 : i32 to index
          %get3A_581 = tpu.vector_load %arg9[%get3A_580] {strides = array<i32>} : memref<98304xf32, #tpu.memory_space<vmem>>, vector<16xf32>,
          %get3A_582 = vector.shape_cast %get3A_581 : vector<16xf32> to vector<16xf32>
          %add3A_583 = arith.addf %while3A_465, %get3A_582 : vector<16xf32>
          %max3A_584 = arith.maximumf %while3A_473, %get3A_582 : vector<16xf32>
          %mul3A_585 = arith.mulf %exp3A, %get3A_582 : vector<16xf32>
          %add3A_586 = arith.addf %while3A_481, %mul3A_585 : vector<16xf32>
          %add3A_587 = arith.addf %while3A_482, %exp3A : vector<16xf32>
          scf.yield %add3A_499, %add3A_511, %add3A_523, %add3A_535, %add3A_547, %add3A_559, %add3A_571, %add3A_583, %max3A_500, %max3A_512, %max3A_524, %max3A_536, %max3A_548, %max3A_560, %max3A_572, %max3A_584, %add3A_502, %add3A_514, %add3A_526, %add3A_538, %add3A_550, %add3A_562, %add3A_574, %add3A_586, %add3A_587 : vector<16xf32>, vector<16xf32>, vector<16xf32>, vector<16xf32>, vector<16xf32>, vector<16xf32>, vector<16xf32>, vector<16xf32>, vector<16xf32>, vector<16xf32>, vector<16xf32>, vector<16xf32>, vector<16xf32>, vector<16xf32>, vector<16xf32>, vector<16xf32>, vector<16xf32>, vector<16xf32>, vector<16xf32>, vector<16xf32>, vector<16xf32>, vector<16xf32>, vector<16xf32>, vector<16xf32>, vector<16xf32>
        }
        scf.yield %while3A_456#0, %while3A_456#1, %while3A_456#2, %while3A_456#3, %while3A_456#4, %while3A_456#5, %while3A_456#6, %while3A_456#7, %while3A_456#8, %while3A_456#9, %while3A_456#10, %while3A_456#11, %while3A_456#12, %while3A_456#13, %while3A_456#14, %while3A_456#15, %while3A_456#16, %while3A_456#17, %while3A_456#18, %while3A_456#19, %while3A_456#20, %while3A_456#21, %while3A_456#22, %while3A_456#23, %while3A_456#24, %cond3A_403, %cond3A_413 : vector<16xf32>, vector<16xf32>, vector<16xf32>, vector<16xf32>, vector<16xf32>, vector<16xf32>, vector<16xf32>, vector<16xf32>, vector<16xf32>, vector<16xf32>, vector<16xf32>, vector<16xf32>, vector<16xf32>, vector<16xf32>, vector<16xf32>, vector<16xf32>, vector<16xf32>, vector<16xf32>, vector<16xf32>, vector<16xf32>, vector<16xf32>, vector<16xf32>, vector<16xf32>, vector<16xf32>, vector<16xf32>, i32, i32
      }
      %while3A_163 = arith.constant 1 : i32
      %while3A_164:27 = scf.for %while3A_372 = %while3A_160 to %while3A_156 step %while3A_163 iter_args(%while3A_373 = %while3A_162#0, %while3A_374 = %while3A_162#1, %while3A_375 = %while3A_162#2, %while3A_376 = %while3A_162#3, %while3A_377 = %while3A_162#4, %while3A_378 = %while3A_162#5, %while3A_379 = %while3A_162#6, %while3A_380 = %while3A_162#7, %while3A_381 = %while3A_162#8, %while3A_382 = %while3A_162#9, %while3A_383 = %while3A_162#10, %while3A_384 = %while3A_162#11, %while3A_385 = %while3A_162#12, %while3A_386 = %while3A_162#13, %while3A_387 = %while3A_162#14, %while3A_388 = %while3A_162#15, %while3A_389 = %while3A_162#16, %while3A_390 = %while3A_162#17, %while3A_391 = %while3A_162#18, %while3A_392 = %while3A_162#19, %while3A_393 = %while3A_162#20, %while3A_394 = %while3A_162#21, %while3A_395 = %while3A_162#22, %while3A_396 = %while3A_162#23, %while3A_397 = %while3A_162#24, %while3A_398 = %while3A_162#25, %while3A_399 = %while3A_162#26) -> (vector<16xf32>, vector<16xf32>, vector<16xf32>, vector<16xf32>, vector<16xf32>, vector<16xf32>, vector<16xf32>, vector<16xf32>, vector<16xf32>, vector<16xf32>, vector<16xf32>, vector<16xf32>, vector<16xf32>, vector<16xf32>, vector<16xf32>, vector<16xf32>, vector<16xf32>, vector<16xf32>, vector<16xf32>, vector<16xf32>, vector<16xf32>, vector<16xf32>, vector<16xf32>, vector<16xf32>, vector<16xf32>, i32, i32)  : i32 {
        %le3A = arith.cmpi sle, %while3A_398, %while3A_372 : i32
        %convert_element_type3A_400 = arith.extui %le3A : i1 to i32
        %cond3A_401 = arith.constant 0 : i32
        %cond3A_402 = arith.cmpi ne, %convert_element_type3A_400, %cond3A_401 : i32
        %cond3A_403 = scf.if %cond3A_402 -> (i32) {
          %jit3A_457 = arith.constant 3 : i32
          %eq3A_458 = arith.constant 0 : i32
          %eq3A_459 = arith.cmpi eq, %jit3A_457, %eq3A_458 : i32
          %jit3A_460 = arith.constant 1 : i32
          %select_n3A_461 = arith.select %eq3A_459, %jit3A_460, %jit3A_457 : i32
          %rem3A_462 = arith.remsi %while3A_372, %select_n3A_461 : i32
          %ne3A_463 = arith.constant 0 : i32
          %ne3A_464 = arith.cmpi ne, %rem3A_462, %ne3A_463 : i32
          %lt3A_465 = arith.constant 0 : i32
          %lt3A_466 = arith.cmpi slt, %rem3A_462, %lt3A_465 : i32
          %lt3A_467 = arith.constant 0 : i32
          %lt3A_468 = arith.cmpi slt, %select_n3A_461, %lt3A_467 : i32
          %ne3A_469 = arith.xori %lt3A_466, %lt3A_468 : i1
          %and3A_470 = arith.andi %ne3A_469, %ne3A_464 : i1
          %add3A_471 = arith.addi %rem3A_462, %select_n3A_461 : i32
          %select_n3A_472 = arith.select %and3A_470, %add3A_471, %rem3A_462 : i32
          %mul3A_473 = arith.constant 32768 : i32
          %mul3A_474 = arith.muli %select_n3A_472, %mul3A_473 : i32
          %dma_wait3A = tpu.memref_slice %arg9[%mul3A_474] : memref<98304xf32, #tpu.memory_space<vmem>> -> memref<32768xf32, #tpu.memory_space<vmem>>
          %dma_wait3A_475 = arith.constant 0 : i32
          %dma_wait3A_476 = tpu.memref_slice %arg2[%dma_wait3A_475] : memref<12800000xf32, #tpu.memory_space<hbm>> -> memref<32768xf32, #tpu.memory_space<hbm>>
          %dma_wait3A_477 = tpu.memref_slice %arg16[%select_n3A_472] : memref<3x!tpu.dma_semaphore, #tpu.memory_space<semaphore_mem>> -> memref<1x!tpu.dma_semaphore, #tpu.memory_space<semaphore_mem>>
          %dma_wait3A_478 = tpu.memref_squeeze %dma_wait3A_477 : memref<1x!tpu.dma_semaphore, #tpu.memory_space<semaphore_mem>> -> memref<!tpu.dma_semaphore, #tpu.memory_space<semaphore_mem>>
          %dma_wait3A_479 = tpu.memref_slice %arg9[%mul3A_474] : memref<98304xf32, #tpu.memory_space<vmem>> -> memref<32768xf32, #tpu.memory_space<vmem>>
          %dma_wait3A_480 = arith.constant 0 : i32
          %dma_wait3A_481 = tpu.memref_slice %arg2[%dma_wait3A_480] : memref<12800000xf32, #tpu.memory_space<hbm>> -> memref<32768xf32, #tpu.memory_space<hbm>>
          tpu.wait_dma2 semaphore(%dma_wait3A_478 : memref<!tpu.dma_semaphore, #tpu.memory_space<semaphore_mem>>) src(%dma_wait3A_481 : memref<32768xf32, #tpu.memory_space<hbm>>) dst(%dma_wait3A_479 : memref<32768xf32, #tpu.memory_space<vmem>>)
          %mul3A_482 = arith.constant 272 : i32
          %mul3A_483 = arith.muli %select_n3A_472, %mul3A_482 : i32
          %dma_wait3A_484 = tpu.memref_slice %arg10[%mul3A_483] : memref<816xf32, #tpu.memory_space<vmem>> -> memref<256xf32, #tpu.memory_space<vmem>>
          %dma_wait3A_485 = arith.constant 0 : i32
          %dma_wait3A_486 = tpu.memref_slice %arg3[%dma_wait3A_485] : memref<106496xf32, #tpu.memory_space<hbm>> -> memref<256xf32, #tpu.memory_space<hbm>>
          %dma_wait3A_487 = tpu.memref_slice %arg17[%select_n3A_472] : memref<3x!tpu.dma_semaphore, #tpu.memory_space<semaphore_mem>> -> memref<1x!tpu.dma_semaphore, #tpu.memory_space<semaphore_mem>>
          %dma_wait3A_488 = tpu.memref_squeeze %dma_wait3A_487 : memref<1x!tpu.dma_semaphore, #tpu.memory_space<semaphore_mem>> -> memref<!tpu.dma_semaphore, #tpu.memory_space<semaphore_mem>>
          %dma_wait3A_489 = tpu.memref_slice %arg10[%mul3A_483] : memref<816xf32, #tpu.memory_space<vmem>> -> memref<256xf32, #tpu.memory_space<vmem>>
          %dma_wait3A_490 = arith.constant 0 : i32
          %dma_wait3A_491 = tpu.memref_slice %arg3[%dma_wait3A_490] : memref<106496xf32, #tpu.memory_space<hbm>> -> memref<256xf32, #tpu.memory_space<hbm>>
          tpu.wait_dma2 semaphore(%dma_wait3A_488 : memref<!tpu.dma_semaphore, #tpu.memory_space<semaphore_mem>>) src(%dma_wait3A_491 : memref<256xf32, #tpu.memory_space<hbm>>) dst(%dma_wait3A_489 : memref<256xf32, #tpu.memory_space<vmem>>)
          %add3A_492 = arith.constant 1 : i32
          %add3A_493 = arith.addi %while3A_372, %add3A_492 : i32
          scf.yield %add3A_493 : i32
        } else {
          scf.yield %while3A_398 : i32
        }
        %add3A_404 = arith.constant 2 : i32
        %add3A_405 = arith.addi %while3A_372, %add3A_404 : i32
        %le3A_406 = arith.cmpi sle, %while3A_399, %add3A_405 : i32
        %add3A_407 = arith.constant 2 : i32
        %add3A_408 = arith.addi %while3A_372, %add3A_407 : i32
        %lt3A = arith.cmpi slt, %add3A_408, %select_n3A_60 : i32
        %and3A_409 = arith.andi %le3A_406, %lt3A : i1
        %convert_element_type3A_410 = arith.extui %and3A_409 : i1 to i32
        %cond3A_411 = arith.constant 0 : i32
        %cond3A_412 = arith.cmpi ne, %convert_element_type3A_410, %cond3A_411 : i32
        %cond3A_413 = scf.if %cond3A_412 -> (i32) {
          %add3A_457 = arith.constant 2 : i32
          %add3A_458 = arith.addi %while3A_372, %add3A_457 : i32
          %mul3A_459 = arith.constant 256 : i32
          %mul3A_460 = arith.muli %add3A_458, %mul3A_459 : i32
          %add3A_461 = arith.addi %mul3A_29, %mul3A_460 : i32
          %min3A_462 = arith.constant 99744 : i32
          %min3A_463 = arith.minsi %add3A_461, %min3A_462 : i32
          %jit3A_464 = arith.constant 3 : i32
          %eq3A_465 = arith.constant 0 : i32
          %eq3A_466 = arith.cmpi eq, %jit3A_464, %eq3A_465 : i32
          %jit3A_467 = arith.constant 1 : i32
          %select_n3A_468 = arith.select %eq3A_466, %jit3A_467, %jit3A_464 : i32
          %rem3A_469 = arith.remsi %add3A_458, %select_n3A_468 : i32
          %ne3A_470 = arith.constant 0 : i32
          %ne3A_471 = arith.cmpi ne, %rem3A_469, %ne3A_470 : i32
          %lt3A_472 = arith.constant 0 : i32
          %lt3A_473 = arith.cmpi slt, %rem3A_469, %lt3A_472 : i32
          %lt3A_474 = arith.constant 0 : i32
          %lt3A_475 = arith.cmpi slt, %select_n3A_468, %lt3A_474 : i32
          %ne3A_476 = arith.xori %lt3A_473, %lt3A_475 : i1
          %and3A_477 = arith.andi %ne3A_476, %ne3A_471 : i1
          %add3A_478 = arith.addi %rem3A_469, %select_n3A_468 : i32
          %select_n3A_479 = arith.select %and3A_477, %add3A_478, %rem3A_469 : i32
          %mul3A_480 = arith.constant 128 : i32
          %mul3A_481 = arith.muli %min3A_463, %mul3A_480 : i32
          %mul3A_482 = arith.constant 32768 : i32
          %mul3A_483 = arith.muli %select_n3A_479, %mul3A_482 : i32
          %dma_start3A = tpu.memref_slice %arg9[%mul3A_483] : memref<98304xf32, #tpu.memory_space<vmem>> -> memref<32768xf32, #tpu.memory_space<vmem>>
          %dma_start3A_484 = tpu.memref_slice %arg2[%mul3A_481] : memref<12800000xf32, #tpu.memory_space<hbm>> -> memref<32768xf32, #tpu.memory_space<hbm>>
          %dma_start3A_485 = tpu.memref_slice %arg16[%select_n3A_479] : memref<3x!tpu.dma_semaphore, #tpu.memory_space<semaphore_mem>> -> memref<1x!tpu.dma_semaphore, #tpu.memory_space<semaphore_mem>>
          %dma_start3A_486 = tpu.memref_squeeze %dma_start3A_485 : memref<1x!tpu.dma_semaphore, #tpu.memory_space<semaphore_mem>> -> memref<!tpu.dma_semaphore, #tpu.memory_space<semaphore_mem>>
          %dma_start3A_487 = tpu.memref_slice %arg9[%mul3A_483] : memref<98304xf32, #tpu.memory_space<vmem>> -> memref<32768xf32, #tpu.memory_space<vmem>>
          %dma_start3A_488 = tpu.memref_slice %arg2[%mul3A_481] : memref<12800000xf32, #tpu.memory_space<hbm>> -> memref<32768xf32, #tpu.memory_space<hbm>>
          tpu.enqueue_dma source(%dma_start3A_488 : memref<32768xf32, #tpu.memory_space<hbm>>) target(%dma_start3A_487 : memref<32768xf32, #tpu.memory_space<vmem>>) target_semaphore(%dma_start3A_486 : memref<!tpu.dma_semaphore, #tpu.memory_space<semaphore_mem>>)
          %mul3A_489 = arith.constant 272 : i32
          %mul3A_490 = arith.muli %select_n3A_479, %mul3A_489 : i32
          %dma_start3A_491 = tpu.memref_slice %arg10[%mul3A_490] : memref<816xf32, #tpu.memory_space<vmem>> -> memref<256xf32, #tpu.memory_space<vmem>>
          %dma_start3A_492 = tpu.memref_slice %arg3[%min3A_463] : memref<106496xf32, #tpu.memory_space<hbm>> -> memref<256xf32, #tpu.memory_space<hbm>>
          %dma_start3A_493 = tpu.memref_slice %arg17[%select_n3A_479] : memref<3x!tpu.dma_semaphore, #tpu.memory_space<semaphore_mem>> -> memref<1x!tpu.dma_semaphore, #tpu.memory_space<semaphore_mem>>
          %dma_start3A_494 = tpu.memref_squeeze %dma_start3A_493 : memref<1x!tpu.dma_semaphore, #tpu.memory_space<semaphore_mem>> -> memref<!tpu.dma_semaphore, #tpu.memory_space<semaphore_mem>>
          %dma_start3A_495 = tpu.memref_slice %arg10[%mul3A_490] : memref<816xf32, #tpu.memory_space<vmem>> -> memref<256xf32, #tpu.memory_space<vmem>>
          %dma_start3A_496 = tpu.memref_slice %arg3[%min3A_463] : memref<106496xf32, #tpu.memory_space<hbm>> -> memref<256xf32, #tpu.memory_space<hbm>>
          tpu.enqueue_dma source(%dma_start3A_496 : memref<256xf32, #tpu.memory_space<hbm>>) target(%dma_start3A_495 : memref<256xf32, #tpu.memory_space<vmem>>) target_semaphore(%dma_start3A_494 : memref<!tpu.dma_semaphore, #tpu.memory_space<semaphore_mem>>)
          %add3A_497 = arith.constant 3 : i32
          %add3A_498 = arith.addi %while3A_372, %add3A_497 : i32
          scf.yield %add3A_498 : i32
        } else {
          scf.yield %while3A_399 : i32
        }
        %mul3A_414 = arith.constant 256 : i32
        %mul3A_415 = arith.muli %while3A_372, %mul3A_414 : i32
        %add3A_416 = arith.addi %mul3A_29, %mul3A_415 : i32
        %min3A_417 = arith.constant 99744 : i32
        %min3A_418 = arith.minsi %add3A_416, %min3A_417 : i32
        %mul3A_419 = arith.constant 256 : i32
        %mul3A_420 = arith.muli %while3A_372, %mul3A_419 : i32
        %add3A_421 = arith.addi %mul3A_29, %mul3A_420 : i32
        %max3A = arith.maxsi %squeeze3A_92, %add3A_421 : i32
        %add3A_422 = arith.constant 1 : i32
        %add3A_423 = arith.addi %while3A_372, %add3A_422 : i32
        %mul3A_424 = arith.constant 256 : i32
        %mul3A_425 = arith.muli %add3A_423, %mul3A_424 : i32
        %add3A_426 = arith.addi %mul3A_29, %mul3A_425 : i32
        %min3A_427 = arith.minsi %squeeze3A_94, %add3A_426 : i32
        %jit3A_428 = arith.constant 3 : i32
        %eq3A = arith.constant 0 : i32
        %eq3A_429 = arith.cmpi eq, %jit3A_428, %eq3A : i32
        %jit3A_430 = arith.constant 1 : i32
        %select_n3A_431 = arith.select %eq3A_429, %jit3A_430, %jit3A_428 : i32
        %rem3A_432 = arith.remsi %while3A_372, %select_n3A_431 : i32
        %ne3A_433 = arith.constant 0 : i32
        %ne3A_434 = arith.cmpi ne, %rem3A_432, %ne3A_433 : i32
        %lt3A_435 = arith.constant 0 : i32
        %lt3A_436 = arith.cmpi slt, %rem3A_432, %lt3A_435 : i32
        %lt3A_437 = arith.constant 0 : i32
        %lt3A_438 = arith.cmpi slt, %select_n3A_431, %lt3A_437 : i32
        %ne3A_439 = arith.xori %lt3A_436, %lt3A_438 : i1
        %and3A_440 = arith.andi %ne3A_439, %ne3A_434 : i1
        %add3A_441 = arith.addi %rem3A_432, %select_n3A_431 : i32
        %select_n3A_442 = arith.select %and3A_440, %add3A_441, %rem3A_432 : i32
        %mul3A_443 = arith.constant 32768 : i32
        %mul3A_444 = arith.muli %select_n3A_442, %mul3A_443 : i32
        %mul3A_445 = arith.constant 272 : i32
        %mul3A_446 = arith.muli %select_n3A_442, %mul3A_445 : i32
        %while3A_447 = arith.subi %min3A_427, %max3A : i32
        %while3A_448 = arith.addi %max3A, %while3A_447 : i32
        %while3A_449 = arith.constant 1 : i32
        %while3A_450 = arith.divsi %while3A_447, %while3A_449 : i32
        %while3A_451 = arith.muli %while3A_450, %while3A_449 : i32
        %while3A_452 = arith.addi %max3A, %while3A_451 : i32
        %while3A_453 = arith.constant 1 : i32
        %while3A_454:25 = scf.for %while3A_457 = %max3A to %while3A_452 step %while3A_453 iter_args(%while3A_458 = %while3A_373, %while3A_459 = %while3A_374, %while3A_460 = %while3A_375, %while3A_461 = %while3A_376, %while3A_462 = %while3A_377, %while3A_463 = %while3A_378, %while3A_464 = %while3A_379, %while3A_465 = %while3A_380, %while3A_466 = %while3A_381, %while3A_467 = %while3A_382, %while3A_468 = %while3A_383, %while3A_469 = %while3A_384, %while3A_470 = %while3A_385, %while3A_471 = %while3A_386, %while3A_472 = %while3A_387, %while3A_473 = %while3A_388, %while3A_474 = %while3A_389, %while3A_475 = %while3A_390, %while3A_476 = %while3A_391, %while3A_477 = %while3A_392, %while3A_478 = %while3A_393, %while3A_479 = %while3A_394, %while3A_480 = %while3A_395, %while3A_481 = %while3A_396, %while3A_482 = %while3A_397) -> (vector<16xf32>, vector<16xf32>, vector<16xf32>, vector<16xf32>, vector<16xf32>, vector<16xf32>, vector<16xf32>, vector<16xf32>, vector<16xf32>, vector<16xf32>, vector<16xf32>, vector<16xf32>, vector<16xf32>, vector<16xf32>, vector<16xf32>, vector<16xf32>, vector<16xf32>, vector<16xf32>, vector<16xf32>, vector<16xf32>, vector<16xf32>, vector<16xf32>, vector<16xf32>, vector<16xf32>, vector<16xf32>)  : i32 {
          %sub3A_483 = arith.subi %while3A_457, %min3A_418 : i32
          %add3A_484 = arith.addi %mul3A_446, %sub3A_483 : i32
          %get3A_485 = arith.index_cast %add3A_484 : i32 to index
          %get3A_486 = tpu.vector_load %arg10[%get3A_485] {strides = array<i32>} : memref<816xf32, #tpu.memory_space<vmem>>, vector<16xf32>,
          %get3A_487 = vector.shape_cast %get3A_486 : vector<16xf32> to vector<16xf32>
          %slice3A_488 = vector.extract_strided_slice %get3A_487 {offsets = [0], sizes = [1], strides = [1]} : vector<16xf32> to vector<1xf32>
          %squeeze3A_489 = vector.extract %slice3A_488[0] : f32 from vector<1xf32>
          %broadcast_in_dim3A_490 = vector.broadcast %squeeze3A_489 : f32 to vector<16xf32>
          %exp3A = math.exp %broadcast_in_dim3A_490 : vector<16xf32>
          %mul3A_491 = arith.constant 128 : i32
          %mul3A_492 = arith.muli %sub3A_483, %mul3A_491 : i32
          %add3A_493 = arith.addi %mul3A_444, %mul3A_492 : i32
          %add3A_494 = arith.constant 0 : i32
          %add3A_495 = arith.addi %add3A_493, %add3A_494 : i32
          %get3A_496 = arith.index_cast %add3A_495 : i32 to index
          %get3A_497 = tpu.vector_load %arg9[%get3A_496] {strides = array<i32>} : memref<98304xf32, #tpu.memory_space<vmem>>, vector<16xf32>,
          %get3A_498 = vector.shape_cast %get3A_497 : vector<16xf32> to vector<16xf32>
          %add3A_499 = arith.addf %while3A_458, %get3A_498 : vector<16xf32>
          %max3A_500 = arith.maximumf %while3A_466, %get3A_498 : vector<16xf32>
          %mul3A_501 = arith.mulf %exp3A, %get3A_498 : vector<16xf32>
          %add3A_502 = arith.addf %while3A_474, %mul3A_501 : vector<16xf32>
          %mul3A_503 = arith.constant 128 : i32
          %mul3A_504 = arith.muli %sub3A_483, %mul3A_503 : i32
          %add3A_505 = arith.addi %mul3A_444, %mul3A_504 : i32
          %add3A_506 = arith.constant 16 : i32
          %add3A_507 = arith.addi %add3A_505, %add3A_506 : i32
          %get3A_508 = arith.index_cast %add3A_507 : i32 to index
          %get3A_509 = tpu.vector_load %arg9[%get3A_508] {strides = array<i32>} : memref<98304xf32, #tpu.memory_space<vmem>>, vector<16xf32>,
          %get3A_510 = vector.shape_cast %get3A_509 : vector<16xf32> to vector<16xf32>
          %add3A_511 = arith.addf %while3A_459, %get3A_510 : vector<16xf32>
          %max3A_512 = arith.maximumf %while3A_467, %get3A_510 : vector<16xf32>
          %mul3A_513 = arith.mulf %exp3A, %get3A_510 : vector<16xf32>
          %add3A_514 = arith.addf %while3A_475, %mul3A_513 : vector<16xf32>
          %mul3A_515 = arith.constant 128 : i32
          %mul3A_516 = arith.muli %sub3A_483, %mul3A_515 : i32
          %add3A_517 = arith.addi %mul3A_444, %mul3A_516 : i32
          %add3A_518 = arith.constant 32 : i32
          %add3A_519 = arith.addi %add3A_517, %add3A_518 : i32
          %get3A_520 = arith.index_cast %add3A_519 : i32 to index
          %get3A_521 = tpu.vector_load %arg9[%get3A_520] {strides = array<i32>} : memref<98304xf32, #tpu.memory_space<vmem>>, vector<16xf32>,
          %get3A_522 = vector.shape_cast %get3A_521 : vector<16xf32> to vector<16xf32>
          %add3A_523 = arith.addf %while3A_460, %get3A_522 : vector<16xf32>
          %max3A_524 = arith.maximumf %while3A_468, %get3A_522 : vector<16xf32>
          %mul3A_525 = arith.mulf %exp3A, %get3A_522 : vector<16xf32>
          %add3A_526 = arith.addf %while3A_476, %mul3A_525 : vector<16xf32>
          %mul3A_527 = arith.constant 128 : i32
          %mul3A_528 = arith.muli %sub3A_483, %mul3A_527 : i32
          %add3A_529 = arith.addi %mul3A_444, %mul3A_528 : i32
          %add3A_530 = arith.constant 48 : i32
          %add3A_531 = arith.addi %add3A_529, %add3A_530 : i32
          %get3A_532 = arith.index_cast %add3A_531 : i32 to index
          %get3A_533 = tpu.vector_load %arg9[%get3A_532] {strides = array<i32>} : memref<98304xf32, #tpu.memory_space<vmem>>, vector<16xf32>,
          %get3A_534 = vector.shape_cast %get3A_533 : vector<16xf32> to vector<16xf32>
          %add3A_535 = arith.addf %while3A_461, %get3A_534 : vector<16xf32>
          %max3A_536 = arith.maximumf %while3A_469, %get3A_534 : vector<16xf32>
          %mul3A_537 = arith.mulf %exp3A, %get3A_534 : vector<16xf32>
          %add3A_538 = arith.addf %while3A_477, %mul3A_537 : vector<16xf32>
          %mul3A_539 = arith.constant 128 : i32
          %mul3A_540 = arith.muli %sub3A_483, %mul3A_539 : i32
          %add3A_541 = arith.addi %mul3A_444, %mul3A_540 : i32
          %add3A_542 = arith.constant 64 : i32
          %add3A_543 = arith.addi %add3A_541, %add3A_542 : i32
          %get3A_544 = arith.index_cast %add3A_543 : i32 to index
          %get3A_545 = tpu.vector_load %arg9[%get3A_544] {strides = array<i32>} : memref<98304xf32, #tpu.memory_space<vmem>>, vector<16xf32>,
          %get3A_546 = vector.shape_cast %get3A_545 : vector<16xf32> to vector<16xf32>
          %add3A_547 = arith.addf %while3A_462, %get3A_546 : vector<16xf32>
          %max3A_548 = arith.maximumf %while3A_470, %get3A_546 : vector<16xf32>
          %mul3A_549 = arith.mulf %exp3A, %get3A_546 : vector<16xf32>
          %add3A_550 = arith.addf %while3A_478, %mul3A_549 : vector<16xf32>
          %mul3A_551 = arith.constant 128 : i32
          %mul3A_552 = arith.muli %sub3A_483, %mul3A_551 : i32
          %add3A_553 = arith.addi %mul3A_444, %mul3A_552 : i32
          %add3A_554 = arith.constant 80 : i32
          %add3A_555 = arith.addi %add3A_553, %add3A_554 : i32
          %get3A_556 = arith.index_cast %add3A_555 : i32 to index
          %get3A_557 = tpu.vector_load %arg9[%get3A_556] {strides = array<i32>} : memref<98304xf32, #tpu.memory_space<vmem>>, vector<16xf32>,
          %get3A_558 = vector.shape_cast %get3A_557 : vector<16xf32> to vector<16xf32>
          %add3A_559 = arith.addf %while3A_463, %get3A_558 : vector<16xf32>
          %max3A_560 = arith.maximumf %while3A_471, %get3A_558 : vector<16xf32>
          %mul3A_561 = arith.mulf %exp3A, %get3A_558 : vector<16xf32>
          %add3A_562 = arith.addf %while3A_479, %mul3A_561 : vector<16xf32>
          %mul3A_563 = arith.constant 128 : i32
          %mul3A_564 = arith.muli %sub3A_483, %mul3A_563 : i32
          %add3A_565 = arith.addi %mul3A_444, %mul3A_564 : i32
          %add3A_566 = arith.constant 96 : i32
          %add3A_567 = arith.addi %add3A_565, %add3A_566 : i32
          %get3A_568 = arith.index_cast %add3A_567 : i32 to index
          %get3A_569 = tpu.vector_load %arg9[%get3A_568] {strides = array<i32>} : memref<98304xf32, #tpu.memory_space<vmem>>, vector<16xf32>,
          %get3A_570 = vector.shape_cast %get3A_569 : vector<16xf32> to vector<16xf32>
          %add3A_571 = arith.addf %while3A_464, %get3A_570 : vector<16xf32>
          %max3A_572 = arith.maximumf %while3A_472, %get3A_570 : vector<16xf32>
          %mul3A_573 = arith.mulf %exp3A, %get3A_570 : vector<16xf32>
          %add3A_574 = arith.addf %while3A_480, %mul3A_573 : vector<16xf32>
          %mul3A_575 = arith.constant 128 : i32
          %mul3A_576 = arith.muli %sub3A_483, %mul3A_575 : i32
          %add3A_577 = arith.addi %mul3A_444, %mul3A_576 : i32
          %add3A_578 = arith.constant 112 : i32
          %add3A_579 = arith.addi %add3A_577, %add3A_578 : i32
          %get3A_580 = arith.index_cast %add3A_579 : i32 to index
          %get3A_581 = tpu.vector_load %arg9[%get3A_580] {strides = array<i32>} : memref<98304xf32, #tpu.memory_space<vmem>>, vector<16xf32>,
          %get3A_582 = vector.shape_cast %get3A_581 : vector<16xf32> to vector<16xf32>
          %add3A_583 = arith.addf %while3A_465, %get3A_582 : vector<16xf32>
          %max3A_584 = arith.maximumf %while3A_473, %get3A_582 : vector<16xf32>
          %mul3A_585 = arith.mulf %exp3A, %get3A_582 : vector<16xf32>
          %add3A_586 = arith.addf %while3A_481, %mul3A_585 : vector<16xf32>
          %add3A_587 = arith.addf %while3A_482, %exp3A : vector<16xf32>
          scf.yield %add3A_499, %add3A_511, %add3A_523, %add3A_535, %add3A_547, %add3A_559, %add3A_571, %add3A_583, %max3A_500, %max3A_512, %max3A_524, %max3A_536, %max3A_548, %max3A_560, %max3A_572, %max3A_584, %add3A_502, %add3A_514, %add3A_526, %add3A_538, %add3A_550, %add3A_562, %add3A_574, %add3A_586, %add3A_587 : vector<16xf32>, vector<16xf32>, vector<16xf32>, vector<16xf32>, vector<16xf32>, vector<16xf32>, vector<16xf32>, vector<16xf32>, vector<16xf32>, vector<16xf32>, vector<16xf32>, vector<16xf32>, vector<16xf32>, vector<16xf32>, vector<16xf32>, vector<16xf32>, vector<16xf32>, vector<16xf32>, vector<16xf32>, vector<16xf32>, vector<16xf32>, vector<16xf32>, vector<16xf32>, vector<16xf32>, vector<16xf32>
        }
        %while3A_455 = arith.constant 1 : i32
        %while3A_456:25 = scf.for %while3A_457 = %while3A_452 to %while3A_448 step %while3A_455 iter_args(%while3A_458 = %while3A_454#0, %while3A_459 = %while3A_454#1, %while3A_460 = %while3A_454#2, %while3A_461 = %while3A_454#3, %while3A_462 = %while3A_454#4, %while3A_463 = %while3A_454#5, %while3A_464 = %while3A_454#6, %while3A_465 = %while3A_454#7, %while3A_466 = %while3A_454#8, %while3A_467 = %while3A_454#9, %while3A_468 = %while3A_454#10, %while3A_469 = %while3A_454#11, %while3A_470 = %while3A_454#12, %while3A_471 = %while3A_454#13, %while3A_472 = %while3A_454#14, %while3A_473 = %while3A_454#15, %while3A_474 = %while3A_454#16, %while3A_475 = %while3A_454#17, %while3A_476 = %while3A_454#18, %while3A_477 = %while3A_454#19, %while3A_478 = %while3A_454#20, %while3A_479 = %while3A_454#21, %while3A_480 = %while3A_454#22, %while3A_481 = %while3A_454#23, %while3A_482 = %while3A_454#24) -> (vector<16xf32>, vector<16xf32>, vector<16xf32>, vector<16xf32>, vector<16xf32>, vector<16xf32>, vector<16xf32>, vector<16xf32>, vector<16xf32>, vector<16xf32>, vector<16xf32>, vector<16xf32>, vector<16xf32>, vector<16xf32>, vector<16xf32>, vector<16xf32>, vector<16xf32>, vector<16xf32>, vector<16xf32>, vector<16xf32>, vector<16xf32>, vector<16xf32>, vector<16xf32>, vector<16xf32>, vector<16xf32>)  : i32 {
          %sub3A_483 = arith.subi %while3A_457, %min3A_418 : i32
          %add3A_484 = arith.addi %mul3A_446, %sub3A_483 : i32
          %get3A_485 = arith.index_cast %add3A_484 : i32 to index
          %get3A_486 = tpu.vector_load %arg10[%get3A_485] {strides = array<i32>} : memref<816xf32, #tpu.memory_space<vmem>>, vector<16xf32>,
          %get3A_487 = vector.shape_cast %get3A_486 : vector<16xf32> to vector<16xf32>
          %slice3A_488 = vector.extract_strided_slice %get3A_487 {offsets = [0], sizes = [1], strides = [1]} : vector<16xf32> to vector<1xf32>
          %squeeze3A_489 = vector.extract %slice3A_488[0] : f32 from vector<1xf32>
          %broadcast_in_dim3A_490 = vector.broadcast %squeeze3A_489 : f32 to vector<16xf32>
          %exp3A = math.exp %broadcast_in_dim3A_490 : vector<16xf32>
          %mul3A_491 = arith.constant 128 : i32
          %mul3A_492 = arith.muli %sub3A_483, %mul3A_491 : i32
          %add3A_493 = arith.addi %mul3A_444, %mul3A_492 : i32
          %add3A_494 = arith.constant 0 : i32
          %add3A_495 = arith.addi %add3A_493, %add3A_494 : i32
          %get3A_496 = arith.index_cast %add3A_495 : i32 to index
          %get3A_497 = tpu.vector_load %arg9[%get3A_496] {strides = array<i32>} : memref<98304xf32, #tpu.memory_space<vmem>>, vector<16xf32>,
          %get3A_498 = vector.shape_cast %get3A_497 : vector<16xf32> to vector<16xf32>
          %add3A_499 = arith.addf %while3A_458, %get3A_498 : vector<16xf32>
          %max3A_500 = arith.maximumf %while3A_466, %get3A_498 : vector<16xf32>
          %mul3A_501 = arith.mulf %exp3A, %get3A_498 : vector<16xf32>
          %add3A_502 = arith.addf %while3A_474, %mul3A_501 : vector<16xf32>
          %mul3A_503 = arith.constant 128 : i32
          %mul3A_504 = arith.muli %sub3A_483, %mul3A_503 : i32
          %add3A_505 = arith.addi %mul3A_444, %mul3A_504 : i32
          %add3A_506 = arith.constant 16 : i32
          %add3A_507 = arith.addi %add3A_505, %add3A_506 : i32
          %get3A_508 = arith.index_cast %add3A_507 : i32 to index
          %get3A_509 = tpu.vector_load %arg9[%get3A_508] {strides = array<i32>} : memref<98304xf32, #tpu.memory_space<vmem>>, vector<16xf32>,
          %get3A_510 = vector.shape_cast %get3A_509 : vector<16xf32> to vector<16xf32>
          %add3A_511 = arith.addf %while3A_459, %get3A_510 : vector<16xf32>
          %max3A_512 = arith.maximumf %while3A_467, %get3A_510 : vector<16xf32>
          %mul3A_513 = arith.mulf %exp3A, %get3A_510 : vector<16xf32>
          %add3A_514 = arith.addf %while3A_475, %mul3A_513 : vector<16xf32>
          %mul3A_515 = arith.constant 128 : i32
          %mul3A_516 = arith.muli %sub3A_483, %mul3A_515 : i32
          %add3A_517 = arith.addi %mul3A_444, %mul3A_516 : i32
          %add3A_518 = arith.constant 32 : i32
          %add3A_519 = arith.addi %add3A_517, %add3A_518 : i32
          %get3A_520 = arith.index_cast %add3A_519 : i32 to index
          %get3A_521 = tpu.vector_load %arg9[%get3A_520] {strides = array<i32>} : memref<98304xf32, #tpu.memory_space<vmem>>, vector<16xf32>,
          %get3A_522 = vector.shape_cast %get3A_521 : vector<16xf32> to vector<16xf32>
          %add3A_523 = arith.addf %while3A_460, %get3A_522 : vector<16xf32>
          %max3A_524 = arith.maximumf %while3A_468, %get3A_522 : vector<16xf32>
          %mul3A_525 = arith.mulf %exp3A, %get3A_522 : vector<16xf32>
          %add3A_526 = arith.addf %while3A_476, %mul3A_525 : vector<16xf32>
          %mul3A_527 = arith.constant 128 : i32
          %mul3A_528 = arith.muli %sub3A_483, %mul3A_527 : i32
          %add3A_529 = arith.addi %mul3A_444, %mul3A_528 : i32
          %add3A_530 = arith.constant 48 : i32
          %add3A_531 = arith.addi %add3A_529, %add3A_530 : i32
          %get3A_532 = arith.index_cast %add3A_531 : i32 to index
          %get3A_533 = tpu.vector_load %arg9[%get3A_532] {strides = array<i32>} : memref<98304xf32, #tpu.memory_space<vmem>>, vector<16xf32>,
          %get3A_534 = vector.shape_cast %get3A_533 : vector<16xf32> to vector<16xf32>
          %add3A_535 = arith.addf %while3A_461, %get3A_534 : vector<16xf32>
          %max3A_536 = arith.maximumf %while3A_469, %get3A_534 : vector<16xf32>
          %mul3A_537 = arith.mulf %exp3A, %get3A_534 : vector<16xf32>
          %add3A_538 = arith.addf %while3A_477, %mul3A_537 : vector<16xf32>
          %mul3A_539 = arith.constant 128 : i32
          %mul3A_540 = arith.muli %sub3A_483, %mul3A_539 : i32
          %add3A_541 = arith.addi %mul3A_444, %mul3A_540 : i32
          %add3A_542 = arith.constant 64 : i32
          %add3A_543 = arith.addi %add3A_541, %add3A_542 : i32
          %get3A_544 = arith.index_cast %add3A_543 : i32 to index
          %get3A_545 = tpu.vector_load %arg9[%get3A_544] {strides = array<i32>} : memref<98304xf32, #tpu.memory_space<vmem>>, vector<16xf32>,
          %get3A_546 = vector.shape_cast %get3A_545 : vector<16xf32> to vector<16xf32>
          %add3A_547 = arith.addf %while3A_462, %get3A_546 : vector<16xf32>
          %max3A_548 = arith.maximumf %while3A_470, %get3A_546 : vector<16xf32>
          %mul3A_549 = arith.mulf %exp3A, %get3A_546 : vector<16xf32>
          %add3A_550 = arith.addf %while3A_478, %mul3A_549 : vector<16xf32>
          %mul3A_551 = arith.constant 128 : i32
          %mul3A_552 = arith.muli %sub3A_483, %mul3A_551 : i32
          %add3A_553 = arith.addi %mul3A_444, %mul3A_552 : i32
          %add3A_554 = arith.constant 80 : i32
          %add3A_555 = arith.addi %add3A_553, %add3A_554 : i32
          %get3A_556 = arith.index_cast %add3A_555 : i32 to index
          %get3A_557 = tpu.vector_load %arg9[%get3A_556] {strides = array<i32>} : memref<98304xf32, #tpu.memory_space<vmem>>, vector<16xf32>,
          %get3A_558 = vector.shape_cast %get3A_557 : vector<16xf32> to vector<16xf32>
          %add3A_559 = arith.addf %while3A_463, %get3A_558 : vector<16xf32>
          %max3A_560 = arith.maximumf %while3A_471, %get3A_558 : vector<16xf32>
          %mul3A_561 = arith.mulf %exp3A, %get3A_558 : vector<16xf32>
          %add3A_562 = arith.addf %while3A_479, %mul3A_561 : vector<16xf32>
          %mul3A_563 = arith.constant 128 : i32
          %mul3A_564 = arith.muli %sub3A_483, %mul3A_563 : i32
          %add3A_565 = arith.addi %mul3A_444, %mul3A_564 : i32
          %add3A_566 = arith.constant 96 : i32
          %add3A_567 = arith.addi %add3A_565, %add3A_566 : i32
          %get3A_568 = arith.index_cast %add3A_567 : i32 to index
          %get3A_569 = tpu.vector_load %arg9[%get3A_568] {strides = array<i32>} : memref<98304xf32, #tpu.memory_space<vmem>>, vector<16xf32>,
          %get3A_570 = vector.shape_cast %get3A_569 : vector<16xf32> to vector<16xf32>
          %add3A_571 = arith.addf %while3A_464, %get3A_570 : vector<16xf32>
          %max3A_572 = arith.maximumf %while3A_472, %get3A_570 : vector<16xf32>
          %mul3A_573 = arith.mulf %exp3A, %get3A_570 : vector<16xf32>
          %add3A_574 = arith.addf %while3A_480, %mul3A_573 : vector<16xf32>
          %mul3A_575 = arith.constant 128 : i32
          %mul3A_576 = arith.muli %sub3A_483, %mul3A_575 : i32
          %add3A_577 = arith.addi %mul3A_444, %mul3A_576 : i32
          %add3A_578 = arith.constant 112 : i32
          %add3A_579 = arith.addi %add3A_577, %add3A_578 : i32
          %get3A_580 = arith.index_cast %add3A_579 : i32 to index
          %get3A_581 = tpu.vector_load %arg9[%get3A_580] {strides = array<i32>} : memref<98304xf32, #tpu.memory_space<vmem>>, vector<16xf32>,
          %get3A_582 = vector.shape_cast %get3A_581 : vector<16xf32> to vector<16xf32>
          %add3A_583 = arith.addf %while3A_465, %get3A_582 : vector<16xf32>
          %max3A_584 = arith.maximumf %while3A_473, %get3A_582 : vector<16xf32>
          %mul3A_585 = arith.mulf %exp3A, %get3A_582 : vector<16xf32>
          %add3A_586 = arith.addf %while3A_481, %mul3A_585 : vector<16xf32>
          %add3A_587 = arith.addf %while3A_482, %exp3A : vector<16xf32>
          scf.yield %add3A_499, %add3A_511, %add3A_523, %add3A_535, %add3A_547, %add3A_559, %add3A_571, %add3A_583, %max3A_500, %max3A_512, %max3A_524, %max3A_536, %max3A_548, %max3A_560, %max3A_572, %max3A_584, %add3A_502, %add3A_514, %add3A_526, %add3A_538, %add3A_550, %add3A_562, %add3A_574, %add3A_586, %add3A_587 : vector<16xf32>, vector<16xf32>, vector<16xf32>, vector<16xf32>, vector<16xf32>, vector<16xf32>, vector<16xf32>, vector<16xf32>, vector<16xf32>, vector<16xf32>, vector<16xf32>, vector<16xf32>, vector<16xf32>, vector<16xf32>, vector<16xf32>, vector<16xf32>, vector<16xf32>, vector<16xf32>, vector<16xf32>, vector<16xf32>, vector<16xf32>, vector<16xf32>, vector<16xf32>, vector<16xf32>, vector<16xf32>
        }
        scf.yield %while3A_456#0, %while3A_456#1, %while3A_456#2, %while3A_456#3, %while3A_456#4, %while3A_456#5, %while3A_456#6, %while3A_456#7, %while3A_456#8, %while3A_456#9, %while3A_456#10, %while3A_456#11, %while3A_456#12, %while3A_456#13, %while3A_456#14, %while3A_456#15, %while3A_456#16, %while3A_456#17, %while3A_456#18, %while3A_456#19, %while3A_456#20, %while3A_456#21, %while3A_456#22, %while3A_456#23, %while3A_456#24, %cond3A_403, %cond3A_413 : vector<16xf32>, vector<16xf32>, vector<16xf32>, vector<16xf32>, vector<16xf32>, vector<16xf32>, vector<16xf32>, vector<16xf32>, vector<16xf32>, vector<16xf32>, vector<16xf32>, vector<16xf32>, vector<16xf32>, vector<16xf32>, vector<16xf32>, vector<16xf32>, vector<16xf32>, vector<16xf32>, vector<16xf32>, vector<16xf32>, vector<16xf32>, vector<16xf32>, vector<16xf32>, vector<16xf32>, vector<16xf32>, i32, i32
      }
      %mul3A_165 = arith.constant 128 : i32
      %mul3A_166 = arith.muli %scan3A_84, %mul3A_165 : i32
      %add3A_167 = arith.constant 0 : i32
      %add3A_168 = arith.addi %mul3A_166, %add3A_167 : i32
      %swap3A = arith.index_cast %add3A_168 : i32 to index
      %swap3A_169 = tpu.vector_load %arg12[%swap3A] {strides = array<i32>} : memref<2048xf32, #tpu.memory_space<vmem>>, vector<16xf32>,
      %swap3A_170 = vector.shape_cast %swap3A_169 : vector<16xf32> to vector<16xf32>
      %swap3A_171 = vector.shape_cast %while3A_164#0 : vector<16xf32> to vector<16xf32>
      tpu.vector_store %arg12[%swap3A], %swap3A_171 {strides = array<i32>} : memref<2048xf32, #tpu.memory_space<vmem>>, vector<16xf32>,
      %mul3A_172 = arith.constant 128 : i32
      %mul3A_173 = arith.muli %scan3A_84, %mul3A_172 : i32
      %add3A_174 = arith.constant 0 : i32
      %add3A_175 = arith.addi %mul3A_173, %add3A_174 : i32
      %swap3A_176 = arith.index_cast %add3A_175 : i32 to index
      %swap3A_177 = tpu.vector_load %arg13[%swap3A_176] {strides = array<i32>} : memref<2048xf32, #tpu.memory_space<vmem>>, vector<16xf32>,
      %swap3A_178 = vector.shape_cast %swap3A_177 : vector<16xf32> to vector<16xf32>
      %swap3A_179 = vector.shape_cast %while3A_164#8 : vector<16xf32> to vector<16xf32>
      tpu.vector_store %arg13[%swap3A_176], %swap3A_179 {strides = array<i32>} : memref<2048xf32, #tpu.memory_space<vmem>>, vector<16xf32>,
      %mul3A_180 = arith.constant 128 : i32
      %mul3A_181 = arith.muli %scan3A_84, %mul3A_180 : i32
      %add3A_182 = arith.constant 0 : i32
      %add3A_183 = arith.addi %mul3A_181, %add3A_182 : i32
      %swap3A_184 = arith.index_cast %add3A_183 : i32 to index
      %swap3A_185 = tpu.vector_load %arg14[%swap3A_184] {strides = array<i32>} : memref<2048xf32, #tpu.memory_space<vmem>>, vector<16xf32>,
      %swap3A_186 = vector.shape_cast %swap3A_185 : vector<16xf32> to vector<16xf32>
      %swap3A_187 = vector.shape_cast %while3A_164#16 : vector<16xf32> to vector<16xf32>
      tpu.vector_store %arg14[%swap3A_184], %swap3A_187 {strides = array<i32>} : memref<2048xf32, #tpu.memory_space<vmem>>, vector<16xf32>,
      %mul3A_188 = arith.constant 128 : i32
      %mul3A_189 = arith.muli %scan3A_84, %mul3A_188 : i32
      %add3A_190 = arith.constant 16 : i32
      %add3A_191 = arith.addi %mul3A_189, %add3A_190 : i32
      %swap3A_192 = arith.index_cast %add3A_191 : i32 to index
      %swap3A_193 = tpu.vector_load %arg12[%swap3A_192] {strides = array<i32>} : memref<2048xf32, #tpu.memory_space<vmem>>, vector<16xf32>,
      %swap3A_194 = vector.shape_cast %swap3A_193 : vector<16xf32> to vector<16xf32>
      %swap3A_195 = vector.shape_cast %while3A_164#1 : vector<16xf32> to vector<16xf32>
      tpu.vector_store %arg12[%swap3A_192], %swap3A_195 {strides = array<i32>} : memref<2048xf32, #tpu.memory_space<vmem>>, vector<16xf32>,
      %mul3A_196 = arith.constant 128 : i32
      %mul3A_197 = arith.muli %scan3A_84, %mul3A_196 : i32
      %add3A_198 = arith.constant 16 : i32
      %add3A_199 = arith.addi %mul3A_197, %add3A_198 : i32
      %swap3A_200 = arith.index_cast %add3A_199 : i32 to index
      %swap3A_201 = tpu.vector_load %arg13[%swap3A_200] {strides = array<i32>} : memref<2048xf32, #tpu.memory_space<vmem>>, vector<16xf32>,
      %swap3A_202 = vector.shape_cast %swap3A_201 : vector<16xf32> to vector<16xf32>
      %swap3A_203 = vector.shape_cast %while3A_164#9 : vector<16xf32> to vector<16xf32>
      tpu.vector_store %arg13[%swap3A_200], %swap3A_203 {strides = array<i32>} : memref<2048xf32, #tpu.memory_space<vmem>>, vector<16xf32>,
      %mul3A_204 = arith.constant 128 : i32
      %mul3A_205 = arith.muli %scan3A_84, %mul3A_204 : i32
      %add3A_206 = arith.constant 16 : i32
      %add3A_207 = arith.addi %mul3A_205, %add3A_206 : i32
      %swap3A_208 = arith.index_cast %add3A_207 : i32 to index
      %swap3A_209 = tpu.vector_load %arg14[%swap3A_208] {strides = array<i32>} : memref<2048xf32, #tpu.memory_space<vmem>>, vector<16xf32>,
      %swap3A_210 = vector.shape_cast %swap3A_209 : vector<16xf32> to vector<16xf32>
      %swap3A_211 = vector.shape_cast %while3A_164#17 : vector<16xf32> to vector<16xf32>
      tpu.vector_store %arg14[%swap3A_208], %swap3A_211 {strides = array<i32>} : memref<2048xf32, #tpu.memory_space<vmem>>, vector<16xf32>,
      %mul3A_212 = arith.constant 128 : i32
      %mul3A_213 = arith.muli %scan3A_84, %mul3A_212 : i32
      %add3A_214 = arith.constant 32 : i32
      %add3A_215 = arith.addi %mul3A_213, %add3A_214 : i32
      %swap3A_216 = arith.index_cast %add3A_215 : i32 to index
      %swap3A_217 = tpu.vector_load %arg12[%swap3A_216] {strides = array<i32>} : memref<2048xf32, #tpu.memory_space<vmem>>, vector<16xf32>,
      %swap3A_218 = vector.shape_cast %swap3A_217 : vector<16xf32> to vector<16xf32>
      %swap3A_219 = vector.shape_cast %while3A_164#2 : vector<16xf32> to vector<16xf32>
      tpu.vector_store %arg12[%swap3A_216], %swap3A_219 {strides = array<i32>} : memref<2048xf32, #tpu.memory_space<vmem>>, vector<16xf32>,
      %mul3A_220 = arith.constant 128 : i32
      %mul3A_221 = arith.muli %scan3A_84, %mul3A_220 : i32
      %add3A_222 = arith.constant 32 : i32
      %add3A_223 = arith.addi %mul3A_221, %add3A_222 : i32
      %swap3A_224 = arith.index_cast %add3A_223 : i32 to index
      %swap3A_225 = tpu.vector_load %arg13[%swap3A_224] {strides = array<i32>} : memref<2048xf32, #tpu.memory_space<vmem>>, vector<16xf32>,
      %swap3A_226 = vector.shape_cast %swap3A_225 : vector<16xf32> to vector<16xf32>
      %swap3A_227 = vector.shape_cast %while3A_164#10 : vector<16xf32> to vector<16xf32>
      tpu.vector_store %arg13[%swap3A_224], %swap3A_227 {strides = array<i32>} : memref<2048xf32, #tpu.memory_space<vmem>>, vector<16xf32>,
      %mul3A_228 = arith.constant 128 : i32
      %mul3A_229 = arith.muli %scan3A_84, %mul3A_228 : i32
      %add3A_230 = arith.constant 32 : i32
      %add3A_231 = arith.addi %mul3A_229, %add3A_230 : i32
      %swap3A_232 = arith.index_cast %add3A_231 : i32 to index
      %swap3A_233 = tpu.vector_load %arg14[%swap3A_232] {strides = array<i32>} : memref<2048xf32, #tpu.memory_space<vmem>>, vector<16xf32>,
      %swap3A_234 = vector.shape_cast %swap3A_233 : vector<16xf32> to vector<16xf32>
      %swap3A_235 = vector.shape_cast %while3A_164#18 : vector<16xf32> to vector<16xf32>
      tpu.vector_store %arg14[%swap3A_232], %swap3A_235 {strides = array<i32>} : memref<2048xf32, #tpu.memory_space<vmem>>, vector<16xf32>,
      %mul3A_236 = arith.constant 128 : i32
      %mul3A_237 = arith.muli %scan3A_84, %mul3A_236 : i32
      %add3A_238 = arith.constant 48 : i32
      %add3A_239 = arith.addi %mul3A_237, %add3A_238 : i32
      %swap3A_240 = arith.index_cast %add3A_239 : i32 to index
      %swap3A_241 = tpu.vector_load %arg12[%swap3A_240] {strides = array<i32>} : memref<2048xf32, #tpu.memory_space<vmem>>, vector<16xf32>,
      %swap3A_242 = vector.shape_cast %swap3A_241 : vector<16xf32> to vector<16xf32>
      %swap3A_243 = vector.shape_cast %while3A_164#3 : vector<16xf32> to vector<16xf32>
      tpu.vector_store %arg12[%swap3A_240], %swap3A_243 {strides = array<i32>} : memref<2048xf32, #tpu.memory_space<vmem>>, vector<16xf32>,
      %mul3A_244 = arith.constant 128 : i32
      %mul3A_245 = arith.muli %scan3A_84, %mul3A_244 : i32
      %add3A_246 = arith.constant 48 : i32
      %add3A_247 = arith.addi %mul3A_245, %add3A_246 : i32
      %swap3A_248 = arith.index_cast %add3A_247 : i32 to index
      %swap3A_249 = tpu.vector_load %arg13[%swap3A_248] {strides = array<i32>} : memref<2048xf32, #tpu.memory_space<vmem>>, vector<16xf32>,
      %swap3A_250 = vector.shape_cast %swap3A_249 : vector<16xf32> to vector<16xf32>
      %swap3A_251 = vector.shape_cast %while3A_164#11 : vector<16xf32> to vector<16xf32>
      tpu.vector_store %arg13[%swap3A_248], %swap3A_251 {strides = array<i32>} : memref<2048xf32, #tpu.memory_space<vmem>>, vector<16xf32>,
      %mul3A_252 = arith.constant 128 : i32
      %mul3A_253 = arith.muli %scan3A_84, %mul3A_252 : i32
      %add3A_254 = arith.constant 48 : i32
      %add3A_255 = arith.addi %mul3A_253, %add3A_254 : i32
      %swap3A_256 = arith.index_cast %add3A_255 : i32 to index
      %swap3A_257 = tpu.vector_load %arg14[%swap3A_256] {strides = array<i32>} : memref<2048xf32, #tpu.memory_space<vmem>>, vector<16xf32>,
      %swap3A_258 = vector.shape_cast %swap3A_257 : vector<16xf32> to vector<16xf32>
      %swap3A_259 = vector.shape_cast %while3A_164#19 : vector<16xf32> to vector<16xf32>
      tpu.vector_store %arg14[%swap3A_256], %swap3A_259 {strides = array<i32>} : memref<2048xf32, #tpu.memory_space<vmem>>, vector<16xf32>,
      %mul3A_260 = arith.constant 128 : i32
      %mul3A_261 = arith.muli %scan3A_84, %mul3A_260 : i32
      %add3A_262 = arith.constant 64 : i32
      %add3A_263 = arith.addi %mul3A_261, %add3A_262 : i32
      %swap3A_264 = arith.index_cast %add3A_263 : i32 to index
      %swap3A_265 = tpu.vector_load %arg12[%swap3A_264] {strides = array<i32>} : memref<2048xf32, #tpu.memory_space<vmem>>, vector<16xf32>,
      %swap3A_266 = vector.shape_cast %swap3A_265 : vector<16xf32> to vector<16xf32>
      %swap3A_267 = vector.shape_cast %while3A_164#4 : vector<16xf32> to vector<16xf32>
      tpu.vector_store %arg12[%swap3A_264], %swap3A_267 {strides = array<i32>} : memref<2048xf32, #tpu.memory_space<vmem>>, vector<16xf32>,
      %mul3A_268 = arith.constant 128 : i32
      %mul3A_269 = arith.muli %scan3A_84, %mul3A_268 : i32
      %add3A_270 = arith.constant 64 : i32
      %add3A_271 = arith.addi %mul3A_269, %add3A_270 : i32
      %swap3A_272 = arith.index_cast %add3A_271 : i32 to index
      %swap3A_273 = tpu.vector_load %arg13[%swap3A_272] {strides = array<i32>} : memref<2048xf32, #tpu.memory_space<vmem>>, vector<16xf32>,
      %swap3A_274 = vector.shape_cast %swap3A_273 : vector<16xf32> to vector<16xf32>
      %swap3A_275 = vector.shape_cast %while3A_164#12 : vector<16xf32> to vector<16xf32>
      tpu.vector_store %arg13[%swap3A_272], %swap3A_275 {strides = array<i32>} : memref<2048xf32, #tpu.memory_space<vmem>>, vector<16xf32>,
      %mul3A_276 = arith.constant 128 : i32
      %mul3A_277 = arith.muli %scan3A_84, %mul3A_276 : i32
      %add3A_278 = arith.constant 64 : i32
      %add3A_279 = arith.addi %mul3A_277, %add3A_278 : i32
      %swap3A_280 = arith.index_cast %add3A_279 : i32 to index
      %swap3A_281 = tpu.vector_load %arg14[%swap3A_280] {strides = array<i32>} : memref<2048xf32, #tpu.memory_space<vmem>>, vector<16xf32>,
      %swap3A_282 = vector.shape_cast %swap3A_281 : vector<16xf32> to vector<16xf32>
      %swap3A_283 = vector.shape_cast %while3A_164#20 : vector<16xf32> to vector<16xf32>
      tpu.vector_store %arg14[%swap3A_280], %swap3A_283 {strides = array<i32>} : memref<2048xf32, #tpu.memory_space<vmem>>, vector<16xf32>,
      %mul3A_284 = arith.constant 128 : i32
      %mul3A_285 = arith.muli %scan3A_84, %mul3A_284 : i32
      %add3A_286 = arith.constant 80 : i32
      %add3A_287 = arith.addi %mul3A_285, %add3A_286 : i32
      %swap3A_288 = arith.index_cast %add3A_287 : i32 to index
      %swap3A_289 = tpu.vector_load %arg12[%swap3A_288] {strides = array<i32>} : memref<2048xf32, #tpu.memory_space<vmem>>, vector<16xf32>,
      %swap3A_290 = vector.shape_cast %swap3A_289 : vector<16xf32> to vector<16xf32>
      %swap3A_291 = vector.shape_cast %while3A_164#5 : vector<16xf32> to vector<16xf32>
      tpu.vector_store %arg12[%swap3A_288], %swap3A_291 {strides = array<i32>} : memref<2048xf32, #tpu.memory_space<vmem>>, vector<16xf32>,
      %mul3A_292 = arith.constant 128 : i32
      %mul3A_293 = arith.muli %scan3A_84, %mul3A_292 : i32
      %add3A_294 = arith.constant 80 : i32
      %add3A_295 = arith.addi %mul3A_293, %add3A_294 : i32
      %swap3A_296 = arith.index_cast %add3A_295 : i32 to index
      %swap3A_297 = tpu.vector_load %arg13[%swap3A_296] {strides = array<i32>} : memref<2048xf32, #tpu.memory_space<vmem>>, vector<16xf32>,
      %swap3A_298 = vector.shape_cast %swap3A_297 : vector<16xf32> to vector<16xf32>
      %swap3A_299 = vector.shape_cast %while3A_164#13 : vector<16xf32> to vector<16xf32>
      tpu.vector_store %arg13[%swap3A_296], %swap3A_299 {strides = array<i32>} : memref<2048xf32, #tpu.memory_space<vmem>>, vector<16xf32>,
      %mul3A_300 = arith.constant 128 : i32
      %mul3A_301 = arith.muli %scan3A_84, %mul3A_300 : i32
      %add3A_302 = arith.constant 80 : i32
      %add3A_303 = arith.addi %mul3A_301, %add3A_302 : i32
      %swap3A_304 = arith.index_cast %add3A_303 : i32 to index
      %swap3A_305 = tpu.vector_load %arg14[%swap3A_304] {strides = array<i32>} : memref<2048xf32, #tpu.memory_space<vmem>>, vector<16xf32>,
      %swap3A_306 = vector.shape_cast %swap3A_305 : vector<16xf32> to vector<16xf32>
      %swap3A_307 = vector.shape_cast %while3A_164#21 : vector<16xf32> to vector<16xf32>
      tpu.vector_store %arg14[%swap3A_304], %swap3A_307 {strides = array<i32>} : memref<2048xf32, #tpu.memory_space<vmem>>, vector<16xf32>,
      %mul3A_308 = arith.constant 128 : i32
      %mul3A_309 = arith.muli %scan3A_84, %mul3A_308 : i32
      %add3A_310 = arith.constant 96 : i32
      %add3A_311 = arith.addi %mul3A_309, %add3A_310 : i32
      %swap3A_312 = arith.index_cast %add3A_311 : i32 to index
      %swap3A_313 = tpu.vector_load %arg12[%swap3A_312] {strides = array<i32>} : memref<2048xf32, #tpu.memory_space<vmem>>, vector<16xf32>,
      %swap3A_314 = vector.shape_cast %swap3A_313 : vector<16xf32> to vector<16xf32>
      %swap3A_315 = vector.shape_cast %while3A_164#6 : vector<16xf32> to vector<16xf32>
      tpu.vector_store %arg12[%swap3A_312], %swap3A_315 {strides = array<i32>} : memref<2048xf32, #tpu.memory_space<vmem>>, vector<16xf32>,
      %mul3A_316 = arith.constant 128 : i32
      %mul3A_317 = arith.muli %scan3A_84, %mul3A_316 : i32
      %add3A_318 = arith.constant 96 : i32
      %add3A_319 = arith.addi %mul3A_317, %add3A_318 : i32
      %swap3A_320 = arith.index_cast %add3A_319 : i32 to index
      %swap3A_321 = tpu.vector_load %arg13[%swap3A_320] {strides = array<i32>} : memref<2048xf32, #tpu.memory_space<vmem>>, vector<16xf32>,
      %swap3A_322 = vector.shape_cast %swap3A_321 : vector<16xf32> to vector<16xf32>
      %swap3A_323 = vector.shape_cast %while3A_164#14 : vector<16xf32> to vector<16xf32>
      tpu.vector_store %arg13[%swap3A_320], %swap3A_323 {strides = array<i32>} : memref<2048xf32, #tpu.memory_space<vmem>>, vector<16xf32>,
      %mul3A_324 = arith.constant 128 : i32
      %mul3A_325 = arith.muli %scan3A_84, %mul3A_324 : i32
      %add3A_326 = arith.constant 96 : i32
      %add3A_327 = arith.addi %mul3A_325, %add3A_326 : i32
      %swap3A_328 = arith.index_cast %add3A_327 : i32 to index
      %swap3A_329 = tpu.vector_load %arg14[%swap3A_328] {strides = array<i32>} : memref<2048xf32, #tpu.memory_space<vmem>>, vector<16xf32>,
      %swap3A_330 = vector.shape_cast %swap3A_329 : vector<16xf32> to vector<16xf32>
      %swap3A_331 = vector.shape_cast %while3A_164#22 : vector<16xf32> to vector<16xf32>
      tpu.vector_store %arg14[%swap3A_328], %swap3A_331 {strides = array<i32>} : memref<2048xf32, #tpu.memory_space<vmem>>, vector<16xf32>,
      %mul3A_332 = arith.constant 128 : i32
      %mul3A_333 = arith.muli %scan3A_84, %mul3A_332 : i32
      %add3A_334 = arith.constant 112 : i32
      %add3A_335 = arith.addi %mul3A_333, %add3A_334 : i32
      %swap3A_336 = arith.index_cast %add3A_335 : i32 to index
      %swap3A_337 = tpu.vector_load %arg12[%swap3A_336] {strides = array<i32>} : memref<2048xf32, #tpu.memory_space<vmem>>, vector<16xf32>,
      %swap3A_338 = vector.shape_cast %swap3A_337 : vector<16xf32> to vector<16xf32>
      %swap3A_339 = vector.shape_cast %while3A_164#7 : vector<16xf32> to vector<16xf32>
      tpu.vector_store %arg12[%swap3A_336], %swap3A_339 {strides = array<i32>} : memref<2048xf32, #tpu.memory_space<vmem>>, vector<16xf32>,
      %mul3A_340 = arith.constant 128 : i32
      %mul3A_341 = arith.muli %scan3A_84, %mul3A_340 : i32
      %add3A_342 = arith.constant 112 : i32
      %add3A_343 = arith.addi %mul3A_341, %add3A_342 : i32
      %swap3A_344 = arith.index_cast %add3A_343 : i32 to index
      %swap3A_345 = tpu.vector_load %arg13[%swap3A_344] {strides = array<i32>} : memref<2048xf32, #tpu.memory_space<vmem>>, vector<16xf32>,
      %swap3A_346 = vector.shape_cast %swap3A_345 : vector<16xf32> to vector<16xf32>
      %swap3A_347 = vector.shape_cast %while3A_164#15 : vector<16xf32> to vector<16xf32>
      tpu.vector_store %arg13[%swap3A_344], %swap3A_347 {strides = array<i32>} : memref<2048xf32, #tpu.memory_space<vmem>>, vector<16xf32>,
      %mul3A_348 = arith.constant 128 : i32
      %mul3A_349 = arith.muli %scan3A_84, %mul3A_348 : i32
      %add3A_350 = arith.constant 112 : i32
      %add3A_351 = arith.addi %mul3A_349, %add3A_350 : i32
      %swap3A_352 = arith.index_cast %add3A_351 : i32 to index
      %swap3A_353 = tpu.vector_load %arg14[%swap3A_352] {strides = array<i32>} : memref<2048xf32, #tpu.memory_space<vmem>>, vector<16xf32>,
      %swap3A_354 = vector.shape_cast %swap3A_353 : vector<16xf32> to vector<16xf32>
      %swap3A_355 = vector.shape_cast %while3A_164#23 : vector<16xf32> to vector<16xf32>
      tpu.vector_store %arg14[%swap3A_352], %swap3A_355 {strides = array<i32>} : memref<2048xf32, #tpu.memory_space<vmem>>, vector<16xf32>,
      %mul3A_356 = arith.constant 128 : i32
      %mul3A_357 = arith.muli %scan3A_84, %mul3A_356 : i32
      %swap3A_358 = arith.index_cast %mul3A_357 : i32 to index
      %swap3A_359 = tpu.vector_load %arg15[%swap3A_358] {strides = array<i32>} : memref<2048xf32, #tpu.memory_space<vmem>>, vector<16xf32>,
      %swap3A_360 = vector.shape_cast %swap3A_359 : vector<16xf32> to vector<16xf32>
      %swap3A_361 = vector.shape_cast %while3A_164#24 : vector<16xf32> to vector<16xf32>
      tpu.vector_store %arg15[%swap3A_358], %swap3A_361 {strides = array<i32>} : memref<2048xf32, #tpu.memory_space<vmem>>, vector<16xf32>,
      %broadcast_in_dim3A_362 = vector.broadcast %sub3A_95 : i32 to vector<16xi32>
      %convert_element_type3A_363 = arith.sitofp %broadcast_in_dim3A_362 : vector<16xi32> to vector<16xf32>
      %mul3A_364 = arith.constant 128 : i32
      %mul3A_365 = arith.muli %scan3A_84, %mul3A_364 : i32
      %add3A_366 = arith.constant 16 : i32
      %add3A_367 = arith.addi %mul3A_365, %add3A_366 : i32
      %swap3A_368 = arith.index_cast %add3A_367 : i32 to index
      %swap3A_369 = tpu.vector_load %arg15[%swap3A_368] {strides = array<i32>} : memref<2048xf32, #tpu.memory_space<vmem>>, vector<16xf32>,
      %swap3A_370 = vector.shape_cast %swap3A_369 : vector<16xf32> to vector<16xf32>
      %swap3A_371 = vector.shape_cast %convert_element_type3A_363 : vector<16xf32> to vector<16xf32>
      tpu.vector_store %arg15[%swap3A_368], %swap3A_371 {strides = array<i32>} : memref<2048xf32, #tpu.memory_space<vmem>>, vector<16xf32>,
      scf.yield %while3A_164#25, %while3A_164#26 : i32, i32
    }
    %scan3A_75 = arith.constant 16 : i32
    %mul3A_76 = arith.constant 128 : i32
    %mul3A_77 = arith.muli %mul3A_2, %mul3A_76 : i32
    "tpu.region"() ({
      %run_scoped3A = tpu.sem_alloc : memref<!tpu.dma_semaphore, #tpu.memory_space<semaphore_mem>>
      %dma_start3A = tpu.memref_slice %arg5[%mul3A_77] : memref<65536xf32, #tpu.memory_space<hbm>> -> memref<2048xf32, #tpu.memory_space<hbm>>
      %dma_start3A_84 = tpu.memref_slice %arg5[%mul3A_77] : memref<65536xf32, #tpu.memory_space<hbm>> -> memref<2048xf32, #tpu.memory_space<hbm>>
      tpu.enqueue_dma source(%arg12 : memref<2048xf32, #tpu.memory_space<vmem>>) target(%dma_start3A_84 : memref<2048xf32, #tpu.memory_space<hbm>>) target_semaphore(%run_scoped3A : memref<!tpu.dma_semaphore, #tpu.memory_space<semaphore_mem>>)
      %dma_wait3A = tpu.memref_slice %arg5[%mul3A_77] : memref<65536xf32, #tpu.memory_space<hbm>> -> memref<2048xf32, #tpu.memory_space<hbm>>
      %dma_wait3A_85 = tpu.memref_slice %arg5[%mul3A_77] : memref<65536xf32, #tpu.memory_space<hbm>> -> memref<2048xf32, #tpu.memory_space<hbm>>
      tpu.wait_dma2 semaphore(%run_scoped3A : memref<!tpu.dma_semaphore, #tpu.memory_space<semaphore_mem>>) src(%arg12 : memref<2048xf32, #tpu.memory_space<vmem>>) dst(%dma_wait3A_85 : memref<2048xf32, #tpu.memory_space<hbm>>)
      tpu.yield
    }) : () -> ()
    %mul3A_78 = arith.constant 128 : i32
    %mul3A_79 = arith.muli %mul3A_2, %mul3A_78 : i32
    "tpu.region"() ({
      %run_scoped3A = tpu.sem_alloc : memref<!tpu.dma_semaphore, #tpu.memory_space<semaphore_mem>>
      %dma_start3A = tpu.memref_slice %arg6[%mul3A_79] : memref<65536xf32, #tpu.memory_space<hbm>> -> memref<2048xf32, #tpu.memory_space<hbm>>
      %dma_start3A_84 = tpu.memref_slice %arg6[%mul3A_79] : memref<65536xf32, #tpu.memory_space<hbm>> -> memref<2048xf32, #tpu.memory_space<hbm>>
      tpu.enqueue_dma source(%arg13 : memref<2048xf32, #tpu.memory_space<vmem>>) target(%dma_start3A_84 : memref<2048xf32, #tpu.memory_space<hbm>>) target_semaphore(%run_scoped3A : memref<!tpu.dma_semaphore, #tpu.memory_space<semaphore_mem>>)
      %dma_wait3A = tpu.memref_slice %arg6[%mul3A_79] : memref<65536xf32, #tpu.memory_space<hbm>> -> memref<2048xf32, #tpu.memory_space<hbm>>
      %dma_wait3A_85 = tpu.memref_slice %arg6[%mul3A_79] : memref<65536xf32, #tpu.memory_space<hbm>> -> memref<2048xf32, #tpu.memory_space<hbm>>
      tpu.wait_dma2 semaphore(%run_scoped3A : memref<!tpu.dma_semaphore, #tpu.memory_space<semaphore_mem>>) src(%arg13 : memref<2048xf32, #tpu.memory_space<vmem>>) dst(%dma_wait3A_85 : memref<2048xf32, #tpu.memory_space<hbm>>)
      tpu.yield
    }) : () -> ()
    %mul3A_80 = arith.constant 128 : i32
    %mul3A_81 = arith.muli %mul3A_2, %mul3A_80 : i32
    "tpu.region"() ({
      %run_scoped3A = tpu.sem_alloc : memref<!tpu.dma_semaphore, #tpu.memory_space<semaphore_mem>>
      %dma_start3A = tpu.memref_slice %arg7[%mul3A_81] : memref<65536xf32, #tpu.memory_space<hbm>> -> memref<2048xf32, #tpu.memory_space<hbm>>
      %dma_start3A_84 = tpu.memref_slice %arg7[%mul3A_81] : memref<65536xf32, #tpu.memory_space<hbm>> -> memref<2048xf32, #tpu.memory_space<hbm>>
      tpu.enqueue_dma source(%arg14 : memref<2048xf32, #tpu.memory_space<vmem>>) target(%dma_start3A_84 : memref<2048xf32, #tpu.memory_space<hbm>>) target_semaphore(%run_scoped3A : memref<!tpu.dma_semaphore, #tpu.memory_space<semaphore_mem>>)
      %dma_wait3A = tpu.memref_slice %arg7[%mul3A_81] : memref<65536xf32, #tpu.memory_space<hbm>> -> memref<2048xf32, #tpu.memory_space<hbm>>
      %dma_wait3A_85 = tpu.memref_slice %arg7[%mul3A_81] : memref<65536xf32, #tpu.memory_space<hbm>> -> memref<2048xf32, #tpu.memory_space<hbm>>
      tpu.wait_dma2 semaphore(%run_scoped3A : memref<!tpu.dma_semaphore, #tpu.memory_space<semaphore_mem>>) src(%arg14 : memref<2048xf32, #tpu.memory_space<vmem>>) dst(%dma_wait3A_85 : memref<2048xf32, #tpu.memory_space<hbm>>)
      tpu.yield
    }) : () -> ()
    %mul3A_82 = arith.constant 128 : i32
    %mul3A_83 = arith.muli %mul3A_2, %mul3A_82 : i32
    "tpu.region"() ({
      %run_scoped3A = tpu.sem_alloc : memref<!tpu.dma_semaphore, #tpu.memory_space<semaphore_mem>>
      %dma_start3A = tpu.memref_slice %arg8[%mul3A_83] : memref<65536xf32, #tpu.memory_space<hbm>> -> memref<2048xf32, #tpu.memory_space<hbm>>
      %dma_start3A_84 = tpu.memref_slice %arg8[%mul3A_83] : memref<65536xf32, #tpu.memory_space<hbm>> -> memref<2048xf32, #tpu.memory_space<hbm>>
      tpu.enqueue_dma source(%arg15 : memref<2048xf32, #tpu.memory_space<vmem>>) target(%dma_start3A_84 : memref<2048xf32, #tpu.memory_space<hbm>>) target_semaphore(%run_scoped3A : memref<!tpu.dma_semaphore, #tpu.memory_space<semaphore_mem>>)
      %dma_wait3A = tpu.memref_slice %arg8[%mul3A_83] : memref<65536xf32, #tpu.memory_space<hbm>> -> memref<2048xf32, #tpu.memory_space<hbm>>
      %dma_wait3A_85 = tpu.memref_slice %arg8[%mul3A_83] : memref<65536xf32, #tpu.memory_space<hbm>> -> memref<2048xf32, #tpu.memory_space<hbm>>
      tpu.wait_dma2 semaphore(%run_scoped3A : memref<!tpu.dma_semaphore, #tpu.memory_space<semaphore_mem>>) src(%arg15 : memref<2048xf32, #tpu.memory_space<vmem>>) dst(%dma_wait3A_85 : memref<2048xf32, #tpu.memory_space<hbm>>)
      tpu.yield
    }) : () -> ()
    return
  }
}

module attributes {stable_mosaic.version = 14 : i64} {
  func.func @_epilogue_body(%arg0: memref<512x128xf32, #tpu.memory_space<vmem>>, %arg1: memref<512x128xf32, #tpu.memory_space<vmem>>, %arg2: memref<512x128xf32, #tpu.memory_space<vmem>>, %arg3: memref<512x128xf32, #tpu.memory_space<vmem>>, %arg4: memref<1x3xf32, #tpu.memory_space<smem>>, %arg5: memref<1x128xf32, #tpu.memory_space<vmem>>, %arg6: memref<1x128xf32, #tpu.memory_space<vmem>>, %arg7: memref<512x128xf32, #tpu.memory_space<vmem>>) attributes {dimension_semantics = [], scalar_prefetch = 0 : i64, scratch_operands = 0 : i64, tpu.core_type = #tpu.core_type<tc>} {
    %get3A = arith.constant 0 : index
    %get3A_0 = arith.constant 0 : index
    %get3A_1 = vector.load %arg3[%get3A, %get3A_0] : memref<512x128xf32, #tpu.memory_space<vmem>>, vector<512x1xf32>
    %get3A_2 = arith.constant 0 : index
    %get3A_3 = arith.constant 16 : index
    %get3A_4 = vector.load %arg3[%get3A_2, %get3A_3] : memref<512x128xf32, #tpu.memory_space<vmem>>, vector<512x1xf32>
    %get3A_5 = arith.constant 0 : index
    %get3A_6 = arith.constant 0 : index
    %get3A_7 = vector.load %arg0[%get3A_5, %get3A_6] : memref<512x128xf32, #tpu.memory_space<vmem>>, vector<512x128xf32>
    %max3A = arith.constant 1.000000e+00 : f32
    %max3A_8 = vector.broadcast %max3A : f32 to vector<512x1xf32>
    %max3A_9 = arith.maximumf %get3A_4, %max3A_8 : vector<512x1xf32>
    %div3A = vector.broadcast %max3A_9 : vector<512x1xf32> to vector<512x128xf32>
    %div3A_10 = arith.divf %get3A_7, %div3A : vector<512x128xf32>
    %get3A_11 = arith.constant 0 : index
    %get3A_12 = arith.constant 0 : index
    %get3A_13 = vector.load %arg2[%get3A_11, %get3A_12] : memref<512x128xf32, #tpu.memory_space<vmem>>, vector<512x128xf32>
    %div3A_14 = vector.broadcast %get3A_1 : vector<512x1xf32> to vector<512x128xf32>
    %div3A_15 = arith.divf %get3A_13, %div3A_14 : vector<512x128xf32>
    %get3A_16 = arith.constant 0 : index
    %get3A_17 = arith.constant 0 : index
    %get3A_18 = memref.load %arg4[%get3A_16, %get3A_17] : memref<1x3xf32, #tpu.memory_space<smem>>
    %get3A_19 = arith.constant 0 : index
    %get3A_20 = arith.constant 1 : index
    %get3A_21 = memref.load %arg4[%get3A_19, %get3A_20] : memref<1x3xf32, #tpu.memory_space<smem>>
    %get3A_22 = arith.constant 0 : index
    %get3A_23 = arith.constant 2 : index
    %get3A_24 = memref.load %arg4[%get3A_22, %get3A_23] : memref<1x3xf32, #tpu.memory_space<smem>>
    %max3A_25 = arith.maximumf %get3A_18, %get3A_21 : f32
    %max3A_26 = arith.maximumf %max3A_25, %get3A_24 : f32
    %sub3A = arith.subf %get3A_18, %max3A_26 : f32
    %exp3A = math.exp %sub3A : f32
    %sub3A_27 = arith.subf %get3A_21, %max3A_26 : f32
    %exp3A_28 = math.exp %sub3A_27 : f32
    %sub3A_29 = arith.subf %get3A_24, %max3A_26 : f32
    %exp3A_30 = math.exp %sub3A_29 : f32
    %add3A = arith.addf %exp3A, %exp3A_28 : f32
    %add3A_31 = arith.addf %add3A, %exp3A_30 : f32
    %div3A_32 = arith.constant 1.000000e+00 : f32
    %div3A_33 = arith.divf %div3A_32, %add3A_31 : f32
    %mul3A = arith.mulf %exp3A, %div3A_33 : f32
    %mul3A_34 = vector.broadcast %mul3A : f32 to vector<512x128xf32>
    %mul3A_35 = arith.mulf %mul3A_34, %div3A_10 : vector<512x128xf32>
    %mul3A_36 = arith.mulf %exp3A_28, %div3A_33 : f32
    %get3A_37 = arith.constant 0 : index
    %get3A_38 = arith.constant 0 : index
    %get3A_39 = vector.load %arg1[%get3A_37, %get3A_38] : memref<512x128xf32, #tpu.memory_space<vmem>>, vector<512x128xf32>
    %mul3A_40 = vector.broadcast %mul3A_36 : f32 to vector<512x128xf32>
    %mul3A_41 = arith.mulf %mul3A_40, %get3A_39 : vector<512x128xf32>
    %add3A_42 = arith.addf %mul3A_35, %mul3A_41 : vector<512x128xf32>
    %mul3A_43 = arith.mulf %exp3A_30, %div3A_33 : f32
    %mul3A_44 = vector.broadcast %mul3A_43 : f32 to vector<512x128xf32>
    %mul3A_45 = arith.mulf %mul3A_44, %div3A_15 : vector<512x128xf32>
    %add3A_46 = arith.addf %add3A_42, %mul3A_45 : vector<512x128xf32>
    %reduce_sum3A = arith.constant dense<0.000000e+00> : vector<512xf32>
    %reduce_sum3A_47 = vector.multi_reduction <add>, %add3A_46, %reduce_sum3A [1] : vector<512x128xf32> to vector<512xf32>
    %broadcast_in_dim3A = vector.shape_cast %reduce_sum3A_47 : vector<512xf32> to vector<512x1xf32>
    %div3A_48 = arith.constant 1.280000e+02 : f32
    %div3A_49 = vector.broadcast %div3A_48 : f32 to vector<512x1xf32>
    %div3A_50 = arith.divf %broadcast_in_dim3A, %div3A_49 : vector<512x1xf32>
    %sub3A_51 = vector.broadcast %div3A_50 : vector<512x1xf32> to vector<512x128xf32>
    %sub3A_52 = arith.subf %add3A_46, %sub3A_51 : vector<512x128xf32>
    %integer_pow3A = arith.mulf %sub3A_52, %sub3A_52 : vector<512x128xf32>
    %reduce_sum3A_53 = arith.constant dense<0.000000e+00> : vector<512xf32>
    %reduce_sum3A_54 = vector.multi_reduction <add>, %integer_pow3A, %reduce_sum3A_53 [1] : vector<512x128xf32> to vector<512xf32>
    %broadcast_in_dim3A_55 = vector.shape_cast %reduce_sum3A_54 : vector<512xf32> to vector<512x1xf32>
    %div3A_56 = arith.constant 1.280000e+02 : f32
    %div3A_57 = vector.broadcast %div3A_56 : f32 to vector<512x1xf32>
    %div3A_58 = arith.divf %broadcast_in_dim3A_55, %div3A_57 : vector<512x1xf32>
    %sub3A_59 = vector.broadcast %div3A_50 : vector<512x1xf32> to vector<512x128xf32>
    %sub3A_60 = arith.subf %add3A_46, %sub3A_59 : vector<512x128xf32>
    %add3A_61 = arith.constant 9.99999974E-6 : f32
    %add3A_62 = vector.broadcast %add3A_61 : f32 to vector<512x1xf32>
    %add3A_63 = arith.addf %div3A_58, %add3A_62 : vector<512x1xf32>
    %rsqrt3A = math.rsqrt %add3A_63 : vector<512x1xf32>
    %mul3A_64 = vector.broadcast %rsqrt3A : vector<512x1xf32> to vector<512x128xf32>
    %mul3A_65 = arith.mulf %sub3A_60, %mul3A_64 : vector<512x128xf32>
    %get3A_66 = arith.constant 0 : index
    %get3A_67 = arith.constant 0 : index
    %get3A_68 = vector.load %arg5[%get3A_66, %get3A_67] : memref<1x128xf32, #tpu.memory_space<vmem>>, vector<1x128xf32>
    %mul3A_69 = vector.broadcast %get3A_68 : vector<1x128xf32> to vector<512x128xf32>
    %mul3A_70 = arith.mulf %mul3A_65, %mul3A_69 : vector<512x128xf32>
    %get3A_71 = arith.constant 0 : index
    %get3A_72 = arith.constant 0 : index
    %get3A_73 = vector.load %arg6[%get3A_71, %get3A_72] : memref<1x128xf32, #tpu.memory_space<vmem>>, vector<1x128xf32>
    %add3A_74 = vector.broadcast %get3A_73 : vector<1x128xf32> to vector<512x128xf32>
    %add3A_75 = arith.addf %mul3A_70, %add3A_74 : vector<512x128xf32>
    %swap3A = arith.constant 0 : index
    %swap3A_76 = arith.constant 0 : index
    %swap3A_77 = vector.load %arg7[%swap3A, %swap3A_76] : memref<512x128xf32, #tpu.memory_space<vmem>>, vector<512x128xf32>
    tpu.vector_store %arg7[%swap3A, %swap3A_76], %add3A_75 {strides = array<i32>} : memref<512x128xf32, #tpu.memory_space<vmem>>, vector<512x128xf32>,
    return
  }
}

module attributes {stable_mosaic.version = 14 : i64} {
  func.func @_scores_body(%arg0: i32, %arg1: memref<8192x128xf32, #tpu.memory_space<vmem>>, %arg2: memref<128x128xf32, #tpu.memory_space<vmem>>, %arg3: memref<1x128xf32, #tpu.memory_space<vmem>>, %arg4: memref<1x128xf32, #tpu.memory_space<vmem>>, %arg5: memref<64x128xf32, #tpu.memory_space<vmem>>) attributes {dimension_semantics = [#tpu.dimension_semantics<arbitrary>], iteration_bounds = array<i64: 13>, scalar_prefetch = 0 : i64, scratch_operands = 0 : i64, tpu.core_type = #tpu.core_type<tc>, window_params = [{transform_indices = @transform_0, window_bounds = array<i64: 8192, 128>}, {pipeline_mode = #tpu.pipeline_mode<synchronous>, transform_indices = @transform_1, window_bounds = array<i64: 128, 128>}, {pipeline_mode = #tpu.pipeline_mode<synchronous>, transform_indices = @transform_2, window_bounds = array<i64: 1, 128>}, {pipeline_mode = #tpu.pipeline_mode<synchronous>, transform_indices = @transform_3, window_bounds = array<i64: 1, 128>}, {transform_indices = @transform_4, window_bounds = array<i64: 64, 128>}]} {
    %get3A = arith.constant 0 : index
    %get3A_0 = arith.constant 0 : index
    %get3A_1 = vector.load %arg1[%get3A, %get3A_0] : memref<8192x128xf32, #tpu.memory_space<vmem>>, vector<8192x128xf32>
    %get3A_2 = arith.constant 0 : index
    %get3A_3 = arith.constant 0 : index
    %get3A_4 = vector.load %arg2[%get3A_2, %get3A_3] : memref<128x128xf32, #tpu.memory_space<vmem>>, vector<128x128xf32>
    %dot_general3A = arith.constant dense<0.000000e+00> : vector<8192x128xf32>
    %dot_general3A_5 = tpu.matmul %get3A_1, %get3A_4, %dot_general3A {dimension_numbers = #tpu.dot_dimension_numbers<[1], [0], [0], [1], [0, 0, 1, 1], [], []>, transpose_lhs_hint = false} : vector<8192x128xf32>, vector<128x128xf32>, vector<8192x128xf32> -> vector<8192x128xf32>
    %get3A_6 = arith.constant 0 : index
    %get3A_7 = arith.constant 0 : index
    %get3A_8 = vector.load %arg3[%get3A_6, %get3A_7] : memref<1x128xf32, #tpu.memory_space<vmem>>, vector<1x128xf32>
    %add3A = vector.broadcast %get3A_8 : vector<1x128xf32> to vector<8192x128xf32>
    %add3A_9 = arith.addf %dot_general3A_5, %add3A : vector<8192x128xf32>
    %tanh3A = math.tanh %add3A_9 : vector<8192x128xf32>
    %get3A_10 = arith.constant 0 : index
    %get3A_11 = arith.constant 0 : index
    %get3A_12 = vector.load %arg4[%get3A_10, %get3A_11] : memref<1x128xf32, #tpu.memory_space<vmem>>, vector<1x128xf32>
    %dot_general3A_13 = arith.constant dense<0.000000e+00> : vector<1x8192xf32>
    %dot_general3A_14 = tpu.matmul %get3A_12, %tanh3A, %dot_general3A_13 {dimension_numbers = #tpu.dot_dimension_numbers<[1], [1], [0], [0], [0, 0, 1, 0], [], []>, transpose_lhs_hint = false} : vector<1x128xf32>, vector<8192x128xf32>, vector<1x8192xf32> -> vector<1x8192xf32>
    %reshape3A = vector.shape_cast %dot_general3A_14 : vector<1x8192xf32> to vector<64x128xf32>
    %swap3A = arith.constant 0 : index
    %swap3A_15 = arith.constant 0 : index
    %swap3A_16 = vector.load %arg5[%swap3A, %swap3A_15] : memref<64x128xf32, #tpu.memory_space<vmem>>, vector<64x128xf32>
    tpu.vector_store %arg5[%swap3A, %swap3A_15], %reshape3A {strides = array<i32>} : memref<64x128xf32, #tpu.memory_space<vmem>>, vector<64x128xf32>,
    return
  }
  func.func @transform_0(%arg0: i32) -> (i32, i32) {
    %c0_i32 = arith.constant 0 : i32
    %c0_i32_0 = arith.constant 0 : i32
    return %arg0, %c0_i32 : i32, i32
  }
  func.func @transform_1(%arg0: i32) -> (i32, i32) {
    %c0_i32 = arith.constant 0 : i32
    %c0_i32_0 = arith.constant 0 : i32
    %c0_i32_1 = arith.constant 0 : i32
    return %c0_i32, %c0_i32_0 : i32, i32
  }
  func.func @transform_2(%arg0: i32) -> (i32, i32) {
    %c0_i32 = arith.constant 0 : i32
    %c0_i32_0 = arith.constant 0 : i32
    %c0_i32_1 = arith.constant 0 : i32
    return %c0_i32, %c0_i32_0 : i32, i32
  }
  func.func @transform_3(%arg0: i32) -> (i32, i32) {
    %c0_i32 = arith.constant 0 : i32
    %c0_i32_0 = arith.constant 0 : i32
    %c0_i32_1 = arith.constant 0 : i32
    return %c0_i32, %c0_i32_0 : i32, i32
  }
  func.func @transform_4(%arg0: i32) -> (i32, i32) {
    %c0_i32 = arith.constant 0 : i32
    %c0_i32_0 = arith.constant 0 : i32
    return %arg0, %c0_i32 : i32, i32
  }
}

</mosaic_0001>

<sc_bundles>
// kernel: kernel.5.cloned.1.call-start
scs
__scs_entry_jumppad:
0x0: {  	(pc) =	sbr.rel $0x88, $3  }
0x1: {  	(tag) =	ssettag $0x0;
	lr =	simm.s32 $0x1  }
0x2: {  	[smem:$0x3F99] =	sst lr;
	_ =	strace $0xD0000000  }
0x3: {  	_ = 	snop  }
0x4: {  	_ = 	snop  }
0x5: {  	_ = 	snop  }
0x6: {  	_ = 	snop  }
0x7: {  	_ = 	snop  }
__scs_overlays_trampoline_lowered:
0x8: {  	[smem:$0x3FA8] =	sst s0  }
0x9: {  	[smem:$0x3FA9] =	sst s1  }
0xa: {  	[smem:$0x3FAA] =	sst s2  }
0xb: {  	[smem:$0x3FAB] =	sst s3  }
0xc: {  	[smem:$0x3FAC] =	sst s4  }
0xd: {  	[smem:$0x3FAD] =	sst s5  }
0xe: {  	[smem:$0x3FAE] =	sst s6  }
0xf: {  	[smem:$0x3FAF] =	sst s7  }
0x10: {  	[smem:$0x3FB0] =	sst s8  }
0x11: {  	[smem:$0x3FB1] =	sst s9;
	s0 =	simm.s32 @!p0 $0x0  }
0x12: {  	s1 =	sld [smem:$0x3F97];
	s0 =	simm.s32 @p0 $0x1  }
0x13: {  	[smem:$0x3FB2] =	sst s0;
	s0 =	simm.s32 @!p1 $0x0  }
0x14: {  	s2 =	sld [smem:$0x3F96];
	s0 =	simm.s32 @p1 $0x1  }
0x15: {  	[smem:$0x3FB3] =	sst s0;
	s0 =	simm.s32 @!p2 $0x0  }
0x16: {  	s3 =	sld [smem:$0x3FDB];
	s0 =	simm.s32 @p2 $0x1  }
0x17: {  	s4 =	simm.s32 $0x1BF5;
	[smem:$0x3FB5] =	sst s0  }
0x18: {  	s0 =	sld [smem:$0x3F98];
	_ =	swait.ge [sflag:s4], $0x0  }
0x19: {  	s7 =	sld [smem:$0x3F99]  }
0x1a: {  	s8 =	sadd.s32 $0xFFFFE003, lr  }
0x1b: {  	s9 =	sadd.s32 $0xFFFFFEF7, lr;
	s5 =	simm.s32 $0xFFFFFFFF;
	p2 =	slt.u32 s8, $0xFFFFF086  }
0x1c: {  	p1 =	slt.u32 s9, $0xF7A;
	s5 =	simm.s32 @!p2 $0x0  }
0x1d: {  	s5 =	simm.s32 @p1 $0x1;
	p0 =	seq.s32 s7, s2  }
0x1e: {  	s7 =	smul.u32 @!p0 $0xF7A, s2;
	p2 =	seq.s32 @!p0 s5, $0x0  }
0x1f: {  	s9 =	smul.u32 $0xF7A, s1;
	s8 =	simm.s32 @!p0 $0x1BF5;
	p2 =	por !p2, p0  }
0x20: {  	[sflag:s8] =	ssyncset.s32 @!p0 $0xFFFFF086;
	s6 =	sadd.s32 @!p0 s3, s7;
	s7 =	simm.s32 @!p0 $0x108  }
0x21: {  	s3 =	sadd.s32 s3, s9;
	s6 =	sadd.s32 @!p0 $0x88, s6;
	s7 =	simm.s32 @p2 $0x1082  }
0x22: {  	[simem:s7], [sflag:s8] =	dma.local @!p0 [hbm:s6], $0xF7A  }
0x23: {  	s9 =	sor.u32 $0xD0000000, s2;
	s6 =	simm.s32 $0x108;
	_ =	swait.ge @!p0 [sflag:s8], $0x0  }
0x24: {  	s3 =	sadd.s32 $0x88, s3;
	s6 =	simm.s32 @!p1 $0x1082;
	[sflag:s4] =	ssyncset.s32 $0xFFFFF086  }
0x25: {  	[simem:s6], [sflag:s4] =	dma.local [hbm:s3], $0xF7A  }
0x26: {  	[smem:$0x3F99] =	sst s1;
	(tag) =	ssettag s2;
	_ =	strace s9  }
0x27: {  	s1 =	sld [smem:$0x3FA9]  }
0x28: {  	s2 =	sld [smem:$0x3FAA]  }
0x29: {  	s4 =	sld [smem:$0x3FAC]  }
0x2a: {  	p0 =	seq.s32 s5, $0x0;
	s5 =	sld [smem:$0x3FAD]  }
0x2b: {  	s6 =	sld [smem:$0x3FAE]  }
0x2c: {  	s7 =	sld [smem:$0x3FAF]  }
0x2d: {  	s3 =	simm.s32 $0x108;
	s8 =	sld [smem:$0x3FB0]  }
0x2e: {  	s3 =	simm.s32 @!p0 $0x1082;
	s9 =	sld [smem:$0x3FB1]  }
0x2f: {  	lr =	sadd.s32 s0, s3;
	s0 =	sld [smem:$0x3FA8]  }
0x30: {  	s3 =	sld [smem:$0x3FAB]  }
0x31: {  	[smem:$0x3FB4] =	sst s10  }
0x32: {  	s10 =	sld [smem:$0x3FB2];
	_ =	sdelay $0x3  }
0x33: {  	p0 =	seq.s32 s10, $0x1;
	s10 =	sld [smem:$0x3FB4];
	_ =	sdelay $0x3  }
0x34: {  	[smem:$0x3FB4] =	sst s10  }
0x35: {  	s10 =	sld [smem:$0x3FB3];
	_ =	sdelay $0x3  }
0x36: {  	p1 =	seq.s32 s10, $0x1;
	s10 =	sld [smem:$0x3FB4];
	_ =	sdelay $0x3  }
0x37: {  	[smem:$0x3FB4] =	sst s10  }
0x38: {  	s10 =	sld [smem:$0x3FB5]  }
0x39: {  	_ = 	snop;
	(pc) =	sbr.ind lr, $3  }
0x3a: {  	_ = 	snop  }
0x3b: {  	_ = 	snop  }
0x3c: {  	p2 =	seq.s32 s10, $0x1;
	s10 =	sld [smem:$0x3FB4]  }
0x3d: {  	_ =	shalt  }
0x3e: {  	_ =	shalt  }
0x3f: {  	_ =	shalt  }
0x40: {  	_ =	shalt  }
0x41: {  	_ =	shalt  }
0x42: {  	_ =	shalt  }
0x43: {  	_ =	shalt  }
0x44: {  	_ =	shalt  }
0x45: {  	_ =	shalt  }
0x46: {  	_ =	shalt  }
0x47: {  	_ =	shalt  }
0x48: {  	_ =	shalt  }
0x49: {  	_ =	shalt  }
0x4a: {  	_ =	shalt  }
0x4b: {  	_ =	shalt  }
0x4c: {  	_ =	shalt  }
0x4d: {  	_ =	shalt  }
0x4e: {  	_ =	shalt  }
0x4f: {  	_ =	shalt  }
0x50: {  	_ =	shalt  }
0x51: {  	_ =	shalt  }
0x52: {  	_ =	shalt  }
0x53: {  	_ =	shalt  }
0x54: {  	_ =	shalt  }
0x55: {  	_ =	shalt  }
0x56: {  	_ =	shalt  }
0x57: {  	_ =	shalt  }
0x58: {  	_ =	shalt  }
0x59: {  	_ =	shalt  }
0x5a: {  	_ =	shalt  }
0x5b: {  	_ =	shalt  }
0x5c: {  	_ =	shalt  }
0x5d: {  	_ =	shalt  }
0x5e: {  	_ =	shalt  }
0x5f: {  	_ =	shalt  }
0x60: {  	_ =	shalt  }
0x61: {  	_ =	shalt  }
0x62: {  	_ =	shalt  }
0x63: {  	_ =	shalt  }
0x64: {  	_ =	shalt  }
0x65: {  	_ =	shalt  }
0x66: {  	_ =	shalt  }
0x67: {  	_ =	shalt  }
0x68: {  	_ =	shalt  }
0x69: {  	_ =	shalt  }
0x6a: {  	_ =	shalt  }
0x6b: {  	_ =	shalt  }
0x6c: {  	_ =	shalt  }
0x6d: {  	_ =	shalt  }
0x6e: {  	_ =	shalt  }
0x6f: {  	_ =	shalt  }
0x70: {  	_ =	shalt  }
0x71: {  	_ =	shalt  }
0x72: {  	_ =	shalt  }
0x73: {  	_ =	shalt  }
0x74: {  	_ =	shalt  }
0x75: {  	_ =	shalt  }
0x76: {  	_ =	shalt  }
0x77: {  	_ =	shalt  }
0x78: {  	_ =	shalt  }
0x79: {  	_ =	shalt  }
0x7a: {  	_ =	shalt  }
0x7b: {  	_ =	shalt  }
0x7c: {  	_ =	shalt  }
0x7d: {  	_ =	shalt  }
0x7e: {  	_ =	shalt  }
0x7f: {  	_ =	shalt  }
0x80: {  	_ =	shalt  }
0x81: {  	_ =	shalt  }
0x82: {  	_ =	shalt  }
0x83: {  	_ =	shalt  }
0x84: {  	_ =	shalt  }
0x85: {  	_ =	shalt  }
0x86: {  	_ =	shalt  }
0x87: {  	_ =	shalt  }
.Lfunc_end0:
.L_simem_size_0:
called_computation_lowered:
.L_overlay_start_0:
0x88: {  	s2 =	sld [smem:$0x3FD9]  }
0x89: {  	s3 =	sld [smem:$0x3FFE];
	_ =	sdelay $0x1  }
0x8a: {  	s1 =	srdreg.scid  }
0x8b: {  	s0 =	sand.u32 $0x1, s1  }
0x8c: {  	s17 =	sshll.u32 s0, $0xA;
	s2 =	sadd.s32 s3, s2  }
0x8d: {  	s2 =	sadd.s32 s2, s17  }
0x8e: {  	[smem:$0x3FC0] =	sst s2  }
0x8f: {  	_ = 	snop  }
0x90: {  	s2 =	sld [smem:$0x3FC9]  }
0x91: {  	s18 =	sld [smem:$0x3FD0];
	(tm) =	ssettm $0x1  }
0x92: {  	s4 =	sld [smem:$0x3FFB];
	_ =	sdelay $0x3  }
0x93: {  	_ =	strace s4  }
0x94: {  	s4 =	sld [smem:$0x3FFC];
	_ =	sdelay $0x3  }
0x95: {  	_ =	strace s4  }
0x96: {  	s4 =	sld [smem:$0x3FFD];
	_ =	sdelay $0x3  }
0x97: {  	_ =	strace s4  }
0x98: {  	_ =	strace $0x8FFFFFFF  }
0x99: {  	s19 =	sld [smem:$0x3FDB];
	_ =	sdelay $0x1  }
0x9a: {  	s5 =	simm.s32 $_scs_section_size  }
0x9b: {  	s6 =	simm.s32 $_size__tile_overlayer_lowered;
	s7 =	simm.s32 $_tile_overlayer_lowered  }
0x9c: {  	s22 =	simm.s32 $0x1BFF;
	s21 =	sshll.u32 s7, $0x1;
	s4 =	sadd.s32 s5, s19  }
0x9d: {  	s8 =	simm.s32 $0x0;
	s20 =	sshll.u32 s6, $0x1;
	s6 =	sadd.s32 s21, s4  }
0x9e: {  	[timem:s8], [sflag:s22] =	dma.local [hbm:s6], s20  }
0x9f: {  	_ =	swait.ge [sflag:s22], s20  }
0xa0: {  	s5 =	ssub.s32 $0x0, s20;
	[sflag:s22] =	ssyncset.done $0x0  }
0xa1: {  	[sflag:s22] =	ssyncadd.s32 s5;
	_ =	sdelay $0x1  }
0xa2: {  	s23 =	simm.s32 $0x1B8B  }
0xa3: {  	_ =	swait.ge [sflag:s23], $0x1  }
0xa4: {  	[sflag:s23] =	ssyncset.done $0x0  }
0xa5: {  	s25 =	simm.s32 $0x1B8E;
	s24 =	sld [smem:$0x3FFE];
	[sflag:s23] =	ssyncadd.s32 $0xFFFFFFFF  }
0xa6: {  	s26 =	simm.s32 $execute0_lowered;
	[smem:$0x3FD2] =	sst s25  }
0xa7: {  	s6 =	sshll.u32 s26, $0x1;
	_ =	strace $0x80000046;
	[dreg:$0x1] =	wrdreg $0xFFFFFFFF  }
0xa8: {  	s28 =	simm.s32 $_size_execute0_lowered;
	s4 =	sadd.s32 s4, s6;
	[dreg:$0x0] =	wrdreg $0x0  }
0xa9: {  	s6 =	sshll.u32 s28, $0x1;
	[dreg:$0x2] =	wrdreg s4  }
0xaa: {  	[dreg:$0x3] =	wrdreg s6  }
0xab: {  	[dreg:$0x4] =	wrdreg $0xC0  }
0xac: {  	_ =	task [dreg:s8], $0x5FFFF  }
0xad: {  	[dreg:$0x1] =	wrdreg $0xFFFFFFFF  }
0xae: {  	[dreg:$0x0] =	wrdreg $0x60  }
0xaf: {  	[dreg:$0x2] =	wrdreg s2  }
0xb0: {  	[dreg:$0x3] =	wrdreg s24  }
0xb1: {  	[dreg:$0x4] =	wrdreg s18  }
0xb2: {  	[dreg:$0x5] =	wrdreg $0x9  }
0xb3: {  	_ =	task.clear_ibuf [dreg:s8], $0x6FFFF;
	_ =	strace $0x90000046  }
0xb4: {  	s29 =	simm.s32 $0x9;
	_ =	strace $0x80000048  }
0xb5: {  	_ =	swait.ge [sflag:s29], $0x1  }
0xb6: {  	[sflag:s29] =	ssyncadd.s32 $0xFFFFFFFF  }
0xb7: {  	_ =	strace $0x90000048  }
0xb8: {  	_ =	sfence  }
0xb9: {  	s30 =	sld [smem:$0x0];
	_ =	sdelay $0x2  }
0xba: {  	s31 =	sshll.u32 s1, $0xD;
	s1 =	sshrl.u32 s1, $0x2  }
0xbb: {  	s3 =	sand.u32 $0x4000, s31;
	s1 =	sadd.s32 s1, s30  }
0xbc: {  	s0 =	sor.u32 s3, s0;
	s1 =	sshll.u32 s1, $0x11  }
0xbd: {  	s0 =	sor.u32 s1, s0  }
0xbe: {  	s0 =	sadd.s32 $0x8F2B, s0  }
0xbf: {  	[sflag:s0] =	ssyncadd.remote.s32 $0x1  }
0xc0: {  	_ =	sfence.sel $0xFFFF  }
0xc1: {  	[dreg:$0x0] =	wrdreg $0xFFFFFFFF;
	(pc) =	sbr.abs _section_cstart, $3  }
0xc2: {  	[dreg:$0x1] =	wrdreg $0xFFFFFFFF  }
0xc3: {  	_ =	task.clear_ibuf [dreg:s8], $0x2FFFF;
	_ =	strace $0x9FFFFFFF  }
0xc4: {  	(tm) =	ssettm $0x7FFFFFFF  }
0xc5: {  	_ =	shalt  }
tec
execute0_lowered:
.L_overlay_start_1:
0x0: {  	(tag) =	ssettag $0x1  }
0x1: {  	s1 =	rddreg [dreg:$0x0]  }
0x2: {  	s0 =	rddreg [dreg:$0x1]  }
0x3: {  	s3 =	rddreg [dreg:$0x2]  }
0x4: {  	s2 =	simm.s32 $0x0;
	s4 =	srdreg.scid;
	s5 =	stileid.u32  }
0x5: {  	s13 =	simm.s32 $0x7;
	s18 =	simm.s32 $0x0;
	[smem:$0x7FF] =	sst s2  }
0x6: {  	s6 =	sand.u32 $0x1, s4;
	s4 =	sadd.s32 $0x1C00, s0;
	s8 =	sadd.s32 $0x1A00, s0  }
0x7: {  	_ =	strace $0x80000047;
	s7 =	sshll.u32 s6, $0x4;
	[dreg:$0x4] =	wrdreg s8  }
.Ltmp0:
0x8: {  	s31 =	ssub.s32 $0x2, s6;
	s7 =	sor.u32 s5, s7;
	(pc) =	sbr.rel .LBB2_1-.Ltmp0, $4  }
0x9: {  	s10 =	sshrl.u32 s31, $0x1;
	s9 =	sshll.u32 s7, $0x8;
	s6 =	sshll.u32 s7, $0x4  }
0xa: {  	s11 =	ssub.s32 s31, s10;
	s0 =	sadd.s32 s9, s0;
	s3 =	sadd.s32 s3, s9  }
0xb: {  	s12 =	sadd.s32 $0x18380, s6;
	s11 =	smax.u32 s11, $0x1;
	[dreg:$0x5] =	wrdreg s3  }
0xc: {  	s8 =	sadd.s32 $0x5000, s0;
	s9 =	sadd.s32 $0x7000, s0;
	s10 =	sadd.s32 $0x9000, s0;
	v0 =	vmov s12  }
.LBB2_5:
0xd: {  	s0 =	rddreg [dreg:$0x5];
	s3 =	simm.s32 $0x18600  }
0xe: {  	[hbm4b:s0+s2] =	stream.linear.scatter [tilespmem:s3], [sflag:$0x7], $0x800, $0x38;
	[tilespmem:$0x1A600] =	vst v63  }
0xf: {  	_ =	swait.ge [sflag:s13], $0x800  }
0x10: {  	[sflag:s13] =	ssyncset.done $0x0  }
0x11: {  	s29 =	simm.s32 $0x18E00;
	[sflag:s13] =	ssyncadd.s32 $0xFFFFF800  }
0x12: {  	[hbm4b:s8+s2] =	stream.linear.scatter [tilespmem:s29], [sflag:$0x7], $0x800, $0x38;
	[tilespmem:$0x1A600] =	vst v63  }
0x13: {  	_ =	swait.ge [sflag:s13], $0x800  }
0x14: {  	[sflag:s13] =	ssyncset.done $0x0  }
0x15: {  	s30 =	simm.s32 $0x19600;
	[sflag:s13] =	ssyncadd.s32 $0xFFFFF800  }
0x16: {  	[hbm4b:s9+s2] =	stream.linear.scatter [tilespmem:s30], [sflag:$0x7], $0x800, $0x38;
	[tilespmem:$0x1A600] =	vst v63  }
0x17: {  	s18 =	sadd.s32 $0x1, s18;
	_ =	swait.ge [sflag:s13], $0x800  }
0x18: {  	p0 =	sne.s32 s18, s11;
	[sflag:s13] =	ssyncset.done $0x0  }
.Ltmp1:
0x19: {  	s31 =	simm.s32 $0x19E00;
	[sflag:s13] =	ssyncadd.s32 $0xFFFFF800;
	(pc) =	sbr.rel @!p0 .LBB2_6-.Ltmp1, $4  }
0x1a: {  	[hbm4b:s10+s2] =	stream.linear.scatter [tilespmem:s31], [sflag:$0x7], $0x800, $0x38;
	[tilespmem:$0x1A600] =	vst v63  }
0x1b: {  	_ =	swait.ge [sflag:s13], $0x800  }
0x1c: {  	[sflag:s13] =	ssyncset.done $0x0  }
0x1d: {  	[sflag:s13] =	ssyncadd.s32 $0xFFFFF800  }
.LBB2_1:
0x1e: {  	s0 =	rddreg [dreg:$0x4];
	s3 =	simm.s32 $0x18380  }
0x1f: {  	[tilespmem:s3], [sflag:$0x7] =	stream.linear.gather [hbm4b:s0+s2], $0x208, $0x38;
	[tilespmem:$0x1A600] =	vst v63  }
0x20: {  	_ =	swait.ge [sflag:s13], $0x208  }
0x21: {  	[sflag:s13] =	ssyncset.done $0x0  }
0x22: {  	[sflag:s13] =	ssyncadd.s32 $0xFFFFFDF8  }
0x23: {  	v1 =	vld [tilespmem:s6+$0x18380];
	_ =	sdelay $0x4  }
0x24: {  	(v2sf) =	vpush v1, $0x0;
	_ =	sdelay $0x1  }
0x25: {  	v1 =	vld [tilespmem:s6+$0x18390];
	_ =	sdelay $0x4  }
0x26: {  	(v2sf) =	vpush v1, $0x0;
	_ =	sdelay $0x7  }
0x27: {  	s26 =	spop (v2sf)  }
0x28: {  	s28 =	sand.u32 $0x7, s26  }
0x29: {  	s12 =	sshra.s32 s26, $0x1F;
	p0 =	slt.s32 s26, $0x1;
	p1 =	sne.s32 s28, $0x0  }
0x2a: {  	s29 =	sshrl.u32 s12, $0x1D;
	p0 =	por !p0, !p1  }
0x2b: {  	s12 =	simm.s32 $0x1;
	s3 =	sadd.s32 s29, s26;
	p0 =	por !p0, !p0  }
0x2c: {  	s3 =	sshrl.u32 s3, $0x3;
	s12 =	simm.s32 @!p0 $0x0  }
0x2d: {  	s3 =	ssub.s32 s3, s12  }
0x2e: {  	s30 =	spop (v2sf);
	s19 =	sshll.u32 s3, $0x3  }
0x2f: {  	s3 =	ssub.s32 s30, s19  }
0x30: {  	s3 =	sadd.s32 $0xFF, s3  }
0x31: {  	s14 =	sand.u32 $0xFF, s3  }
0x32: {  	s15 =	sshra.s32 s3, $0x1F;
	p5 =	slt.s32 s3, $0x1;
	p6 =	sne.s32 s14, $0x0  }
0x33: {  	s31 =	sshrl.u32 s15, $0x18;
	p0 =	por !p5, !p6  }
0x34: {  	s14 =	simm.s32 $0x1;
	s3 =	sadd.s32 s31, s3;
	p0 =	por !p0, !p0  }
0x35: {  	s3 =	sshra.s32 s3, $0x8;
	s14 =	simm.s32 @!p0 $0x0  }
0x36: {  	p0 =	sgt.s32 s30, s26;
	s20 =	ssub.s32 s3, s14  }
0x37: {  	s20 =	simm.s32 @!p0 $0x0  }
0x38: {  	p0 =	slt.s32 s20, $0x1  }
0x39: {  	p1 =	slt.s32 @!p0 s19, $0x185A0  }
0x3a: {  	s0 =	smov.u32 s19;
	p1 =	por !p1, p0  }
0x3b: {  	s0 =	simm.s32 @p1 $0x185A0  }
0x3c: {  	s3 =	sshll.u32 @!p0 s0, $0x4  }
0x3d: {  	s12 =	simm.s32 @!p0 $0x0;
	s3 =	sand.u32 @!p0 $0x1FFFFF80, s3  }
0x3e: {  	p2 =	seq.s32 @!p0 s20, $0x1;
	s0 =	sshrl.u32 @!p0 s0, $0x3;
	s3 =	sadd.s32 @!p0 s1, s3  }
0x3f: {  	[tilespmem:s12], [sflag:$0x1] =	stream.linear.gather @!p0 [hbm4b:s3+s12], $0x8000, $0x38;
	[tilespmem:$0x1A600] =	vst v63  }
0x40: {  	p1 =	por p2, p0;
	s0 =	sadd.s32 @!p0 s4, s0;
	s3 =	simm.s32 @!p0 $0x18000  }
0x41: {  	[tilespmem:s3], [sflag:$0x4] =	stream.linear.gather @!p0 [hbm4b:s0+s12], $0x100, $0x38;
	[tilespmem:$0x1A600] =	vst v63  }
0x42: {  	s0 =	sadd.s32 @!p1 $0x100, s19  }
0x43: {  	p3 =	slt.s32 @!p1 s0, $0x185A0  }
0x44: {  	p2 =	por @!p0 !p3, p2  }
0x45: {  	p0 =	por !p2, p0  }
0x46: {  	s0 =	simm.s32 @!p0 $0x185A0  }
0x47: {  	s3 =	sshll.u32 @!p1 s0, $0x4  }
0x48: {  	s3 =	sand.u32 @!p1 $0x1FFFFF80, s3  }
0x49: {  	s14 =	simm.s32 @!p1 $0x8000;
	s12 =	simm.s32 @!p1 $0x0;
	s3 =	sadd.s32 @!p1 s1, s3  }
0x4a: {  	[tilespmem:s14], [sflag:$0x2] =	stream.linear.gather @!p1 [hbm4b:s3+s12], $0x8000, $0x38;
	[tilespmem:$0x1A600] =	vst v63  }
.Ltmp2:
0x4b: {  	s0 =	sshrl.u32 @!p1 s0, $0x3;
	(pc) =	sbr.rel .LBB2_2-.Ltmp2, $4  }
0x4c: {  	s0 =	sadd.s32 @!p1 s4, s0;
	s3 =	simm.s32 @!p1 $0x18110  }
0x4d: {  	[tilespmem:s3], [sflag:$0x5] =	stream.linear.gather @!p1 [hbm4b:s0+s12], $0x100, $0x38;
	[tilespmem:$0x1A600] =	vst v63  }
0x4e: {  	s22 =	simm.s32 $0x0;
	p0 =	slt.s32 s20, $0x2;
	s3 =	smov.u32 s20  }
0x4f: {  	s21 =	sxor.u32 $0xFFFFFFFF, s19;
	s12 =	simm.s32 $0x0;
	s3 =	simm.s32 @!p0 $0x2  }
.LBB2_3:
0x50: {  	v4 =	vimm.f32 $-Inf  }
0x51: {  	v14 =	vimm.f32 $0.0e+00;
	v11 =	vimm.f32 $0.0e+00;
	v25 =	vimm.f32 $0.0e+00  }
0x52: {  	v24 =	vimm.f32 $0.0e+00;
	v20 =	vimm.f32 $0.0e+00;
	v16 =	vimm.f32 $0.0e+00  }
0x53: {  	v12 =	vimm.f32 $0.0e+00;
	v8 =	vimm.f32 $0.0e+00;
	v6 =	vimm.f32 $-Inf  }
0x54: {  	v23 =	vimm.f32 $-Inf;
	v21 =	vimm.f32 $-Inf;
	v18 =	vimm.f32 $-Inf  }
0x55: {  	v13 =	vimm.f32 $-Inf;
	v10 =	vimm.f32 $-Inf;
	v3 =	vimm.f32 $-Inf  }
0x56: {  	v7 =	vimm.f32 $0.0e+00;
	v5 =	vimm.f32 $0.0e+00;
	v22 =	vimm.f32 $0.0e+00  }
0x57: {  	v19 =	vimm.f32 $0.0e+00;
	v17 =	vimm.f32 $0.0e+00;
	v15 =	vimm.f32 $0.0e+00  }
0x58: {  	v9 =	vimm.f32 $0.0e+00;
	v2 =	vimm.f32 $0.0e+00;
	v1 =	vimm.f32 $0.0e+00  }
.LBB2_4:
0x59: {  	s0 =	sshll.u32 s22, $0x7  }
0x5a: {  	[tilespmem:s0+$0x18600] =	vst v14  }
0x5b: {  	[tilespmem:s0+$0x18E00] =	vst v4  }
0x5c: {  	[tilespmem:s0+$0x19600] =	vst v7  }
0x5d: {  	[tilespmem:s0+$0x18610] =	vst v11  }
0x5e: {  	[tilespmem:s0+$0x18E10] =	vst v6  }
0x5f: {  	[tilespmem:s0+$0x19610] =	vst v5  }
0x60: {  	[tilespmem:s0+$0x18620] =	vst v25  }
0x61: {  	[tilespmem:s0+$0x18E20] =	vst v23  }
0x62: {  	[tilespmem:s0+$0x19620] =	vst v22  }
0x63: {  	[tilespmem:s0+$0x18630] =	vst v24  }
0x64: {  	[tilespmem:s0+$0x18E30] =	vst v21  }
0x65: {  	[tilespmem:s0+$0x19630] =	vst v19  }
0x66: {  	[tilespmem:s0+$0x18640] =	vst v20  }
0x67: {  	[tilespmem:s0+$0x18E40] =	vst v18  }
0x68: {  	[tilespmem:s0+$0x19640] =	vst v17  }
0x69: {  	[tilespmem:s0+$0x18650] =	vst v16  }
0x6a: {  	[tilespmem:s0+$0x18E50] =	vst v13  }
0x6b: {  	[tilespmem:s0+$0x19650] =	vst v15  }
0x6c: {  	[tilespmem:s0+$0x18660] =	vst v12  }
0x6d: {  	s22 =	sadd.s32 $0x1, s22;
	[tilespmem:s0+$0x18E60] =	vst v10  }
0x6e: {  	v63 =	vmov s23;
	[tilespmem:s0+$0x19660] =	vst v9;
	p0 =	sne.s32 s22, $0x10  }
.Ltmp3:
0x6f: {  	[tilespmem:s0+$0x18670] =	vst v8;
	v4 =	vcvt.s32.f32 v63;
	(pc) =	sbr.rel @!p0 .LBB2_5-.Ltmp3, $4  }
0x70: {  	[tilespmem:s0+$0x18E70] =	vst v3  }
0x71: {  	[tilespmem:s0+$0x19670] =	vst v2;
	v2 =	vbroadcast v4, $0x0  }
0x72: {  	[tilespmem:s0+$0x19E00] =	vst v1  }
0x73: {  	[tilespmem:s0+$0x19E10] =	vst v2  }
.LBB2_2:
0x74: {  	_ =	sdelay $0x3  }
0x75: {  	v1 =	vld.idx.msk [tilespmem:v0+s22+$0x0 ss:$0x1], $0xffff;
	_ =	sdelay $0x4  }
0x76: {  	(v2sf) =	vpush v1, $0x0;
	_ =	sdelay $0x1  }
0x77: {  	(v2sf) =	vpush v1, $0x1;
	_ =	sdelay $0xc  }
0x78: {  	s24 =	spop (v2sf)  }
0x79: {  	s14 =	simm.s32 $0x1;
	s0 =	ssub.s32 s24, s19  }
0x7a: {  	p0 =	sne.s32 s24, s19;
	s25 =	spop (v2sf);
	s15 =	sshra.s32 s0, $0x1F  }
0x7b: {  	s14 =	simm.s32 @!p0 $0x0;
	s16 =	sand.u32 $0xFF, s0;
	s28 =	sadd.s32 s21, s25  }
0x7c: {  	s14 =	sor.u32 s14, s15;
	s15 =	sshrl.u32 s15, $0x18;
	p1 =	sne.s32 s16, $0x0  }
0x7d: {  	s29 =	sand.u32 $0xFF, s28;
	s30 =	sshra.s32 s28, $0x1F;
	p6 =	slt.s32 s28, $0x1  }
0x7e: {  	p5 =	sne.s32 s14, $0x1;
	s0 =	sadd.s32 s15, s0;
	p2 =	sne.s32 s29, $0x0  }
0x7f: {  	s15 =	simm.s32 $0x1;
	s16 =	sshrl.u32 s30, $0x18;
	p0 =	por !p1, !p5  }
0x80: {  	s0 =	sshra.s32 s0, $0x8;
	p1 =	por !p6, !p2;
	s14 =	sadd.s32 s16, s28  }
0x81: {  	s16 =	simm.s32 $0x1;
	p0 =	por !p0, !p0;
	p1 =	por !p1, !p1  }
0x82: {  	s14 =	sshra.s32 s14, $0x8;
	s15 =	simm.s32 @!p0 $0x0;
	s16 =	simm.s32 @!p1 $0x0  }
0x83: {  	s23 =	ssub.s32 s25, s24;
	s26 =	ssub.s32 s0, s15;
	s31 =	ssub.s32 s14, s16  }
0x84: {  	p0 =	sgt.s32 s23, $0x0;
	s14 =	sadd.s32 $0x1, s31;
	s0 =	smov.u32 s26  }
0x85: {  	s0 =	smov.u32 @p0 s14  }
0x86: {  	p0 =	sge.s32 s26, s0  }
.Ltmp4:
0x87: {  	_ = 	snop;
	(pc) =	sbr.rel @p0 .LBB2_3-.Ltmp4, $1  }
0x88: {  	_ =	sdelay $0x3  }
0x89: {  	v3 =	vimm.f32 $-Inf  }
0x8a: {  	v1 =	vimm.f32 $0.0e+00;
	v2 =	vimm.f32 $0.0e+00;
	v9 =	vimm.f32 $0.0e+00  }
0x8b: {  	v15 =	vimm.f32 $0.0e+00;
	v17 =	vimm.f32 $0.0e+00;
	v19 =	vimm.f32 $0.0e+00  }
0x8c: {  	v22 =	vimm.f32 $0.0e+00;
	v5 =	vimm.f32 $0.0e+00;
	v7 =	vimm.f32 $0.0e+00  }
.Ltmp5:
0x8d: {  	v10 =	vimm.f32 $-Inf;
	v13 =	vimm.f32 $-Inf;
	v18 =	vimm.f32 $-Inf;
	(pc) =	sbr.rel .LBB2_9-.Ltmp5, $4  }
0x8e: {  	v21 =	vimm.f32 $-Inf;
	v23 =	vimm.f32 $-Inf;
	v6 =	vimm.f32 $-Inf  }
0x8f: {  	v4 =	vimm.f32 $-Inf;
	v8 =	vimm.f32 $0.0e+00;
	v12 =	vimm.f32 $0.0e+00  }
0x90: {  	s14 =	sshll.u32 s26, $0x8;
	v16 =	vimm.f32 $0.0e+00;
	v20 =	vimm.f32 $0.0e+00;
	v24 =	vimm.f32 $0.0e+00  }
0x91: {  	s29 =	smov.u32 s3;
	s30 =	smov.u32 s12;
	v25 =	vimm.f32 $0.0e+00;
	v11 =	vimm.f32 $0.0e+00;
	v14 =	vimm.f32 $0.0e+00;
	s28 =	sadd.s32 s14, s19  }
.LBB2_11:
0x92: {  	v33 =	vmov v25;
	v34 =	vmov v22  }
0x93: {  	v35 =	vmovc v23;
	v36 =	vmovc v19;
	v37 =	vmov v24;
	v38 =	vmov v17;
	v39 =	vmov v21  }
0x94: {  	v40 =	vmovc v20;
	v41 =	vmovc v15;
	v42 =	vmov v18;
	v43 =	vmov v16;
	v44 =	vmov v9  }
0x95: {  	s3 =	smov.u32 s14;
	v45 =	vmovc v13;
	v46 =	vmovc v12;
	v47 =	vmov v10;
	v48 =	vmov v8;
	v49 =	vmov v3  }
.LBB2_15:
0x96: {  	v33 =	vadd.f32 @p4 v30, v33  }
0x97: {  	v34 =	vadd.f32 @p4 v50, v34;
	v50 =	vmul.f32 @p4 v28, v27;
	v30 =	vmax.f32 @p4 v35, v30  }
0x98: {  	v36 =	vadd.f32 @p4 v51, v36;
	v51 =	vmul.f32 @p4 v31, v27;
	v37 =	vadd.f32 @p4 v29, v37  }
0x99: {  	v27 =	vmul.f32 @p4 v32, v27;
	v29 =	vmax.f32 @p4 v39, v29;
	v39 =	vadd.f32 @p4 v28, v40  }
0x9a: {  	s3 =	sadd.s32 @p4 $0x80, s3;
	v28 =	vmax.f32 @p4 v42, v28;
	v42 =	vadd.f32 @p4 v31, v43;
	v31 =	vmax.f32 @p4 v45, v31  }
0x9b: {  	s14 =	smov.u32 @p4 s3;
	v23 =	vpsel p4, v30, v23;
	v21 =	vpsel p4, v29, v21;
	v18 =	vpsel p4, v28, v18  }
0x9c: {  	v13 =	vpsel p4, v31, v13;
	v35 =	vld [tilespmem:s14+$0x30];
	v38 =	vadd.f32 @p4 v50, v38;
	v40 =	vadd.f32 @p4 v51, v41  }
0x9d: {  	v55 =	vpop (erf);
	v52 =	vld [tilespmem:s14+$0xFFFFFFC0];
	v27 =	vadd.f32 @p4 v27, v44;
	v44 =	vadd.f32 @p4 v32, v46;
	v32 =	vmax.f32 @p4 v47, v32  }
0x9e: {  	v63 =	vld [tilespmem:s14+$0xFFFFFFD0];
	v47 =	vadd.f32 @p4 v26, v48;
	v26 =	vmax.f32 @p4 v49, v26;
	v1 =	vadd.f32 v55, v1  }
0x9f: {  	v53 =	vld [tilespmem:s14+$0xFFFFFFE0];
	v25 =	vpsel p4, v33, v25;
	v22 =	vpsel p4, v34, v22;
	v19 =	vpsel p4, v36, v19  }
0xa0: {  	v54 =	vld [tilespmem:s14+$0xFFFFFFF0];
	v24 =	vpsel p4, v37, v24;
	v20 =	vpsel p4, v39, v20;
	v16 =	vpsel p4, v42, v16  }
0xa1: {  	v61 =	vld [tilespmem:s14+$0x0];
	v10 =	vpsel p4, v32, v10;
	v3 =	vpsel p4, v26, v3;
	v17 =	vpsel p4, v38, v17  }
0xa2: {  	v62 =	vld [tilespmem:s14+$0x10];
	v15 =	vpsel p4, v40, v15;
	v9 =	vpsel p4, v27, v9;
	v12 =	vpsel p4, v44, v12  }
0xa3: {  	v8 =	vpsel p4, v47, v8;
	v56 =	vmul.f32 v35, v55;
	v57 =	vmul.f32 v55, v52  }
0xa4: {  	v14 =	vadd.f32 v52, v14;
	v4 =	vmax.f32 v4, v52;
	v58 =	vmul.f32 v55, v63  }
0xa5: {  	v11 =	vadd.f32 v63, v11;
	v59 =	vmul.f32 v53, v55;
	v6 =	vmax.f32 v6, v63  }
0xa6: {  	v60 =	vmul.f32 v54, v55;
	v63 =	vld [tilespmem:s14+$0x20];
	v25 =	vadd.f32 v53, v25;
	v26 =	vmul.f32 v61, v55  }
0xa7: {  	v23 =	vmax.f32 v23, v53;
	v27 =	vmul.f32 v62, v55;
	v24 =	vadd.f32 v54, v24  }
0xa8: {  	v21 =	vmax.f32 v21, v54;
	v20 =	vadd.f32 v61, v20;
	v16 =	vadd.f32 v62, v16  }
0xa9: {  	v18 =	vmax.f32 v18, v61;
	v8 =	vadd.f32 v35, v8;
	v2 =	vadd.f32 v56, v2  }
0xaa: {  	v13 =	vmax.f32 v13, v62;
	v7 =	vadd.f32 v57, v7;
	v5 =	vadd.f32 v58, v5  }
0xab: {  	v22 =	vadd.f32 v59, v22;
	v17 =	vadd.f32 v26, v17;
	v26 =	vmul.f32 v63, v55  }
0xac: {  	v3 =	vmax.f32 v3, v35;
	v19 =	vadd.f32 v60, v19;
	v15 =	vadd.f32 v27, v15  }
0xad: {  	v12 =	vadd.f32 v63, v12;
	v10 =	vmax.f32 v10, v63;
	v9 =	vadd.f32 v26, v9  }
.LBB2_8:
0xae: {  	s14 =	sadd.s32 @!p3 $0x3, s31;
	p2 =	por !p2, p0;
	s3 =	smov.u32 s29  }
0xaf: {  	s3 =	smov.u32 @p2 s14  }
0xb0: {  	s3 =	smov.u32 @p0 s29;
	p0 =	sge.s32 s26, s0  }
.Ltmp6:
0xb1: {  	_ = 	snop;
	(pc) =	sbr.rel @p0 .LBB2_4-.Ltmp6, $4  }
0xb2: {  	_ = 	snop  }
0xb3: {  	s12 =	sadd.s32 @!p1 $0x1, s31  }
0xb4: {  	s12 =	smov.u32 @p1 s30  }
0xb5: {  	s28 =	sadd.s32 $0x100, s28;
	s30 =	smov.u32 s12;
	s29 =	smov.u32 s3  }
.LBB2_9:
0xb6: {  	s3 =	sadd.s32 $0x2, s26  }
0xb7: {  	p0 =	sge.s32 s3, s20  }
0xb8: {  	p1 =	sgt.s32 s30, s26;
	p2 =	sgt.s32 @!p0 s29, s3  }
0xb9: {  	s12 =	smulhi.u32 @!p1 $0xAAAAAAAB, s26;
	p3 =	por p2, p0  }
0xba: {  	s14 =	smulhi.u32 @!p3 $0x55555556, s3;
	s15 =	sshra.s32 @!p3 s3, $0x1F  }
0xbb: {  	s12 =	sshrl.u32 @!p1 s12, $0x1;
	s15 =	smul.u32 @!p3 $0x55555556, s15  }
0xbc: {  	s12 =	smul.u32 @!p1 $0x3, s12  }
0xbd: {  	s14 =	sadd.s32 @!p3 s15, s14  }
0xbe: {  	s31 =	smov.u32 s26;
	s12 =	ssub.s32 @!p1 s26, s12;
	s15 =	sshrl.u32 @!p3 s14, $0x1F  }
0xbf: {  	s26 =	simm.s32 @!p3 $0x0;
	s16 =	sadd.s32 @!p1 $0x1, s12;
	s14 =	sadd.s32 @!p3 s15, s14  }
0xc0: {  	_ =	swait.ge @!p1 [sflag:s16], $0x8000;
	s15 =	sshll.u32 @!p3 s3, $0x8;
	s14 =	smul.u32 @!p3 $0x3, s14  }
0xc1: {  	s12 =	sor.u32 @!p1 $0x4, s12;
	[sflag:s16] =	ssyncset.done @!p1 $0x0;
	s15 =	sadd.s32 @!p3 s19, s15  }
0xc2: {  	[sflag:s16] =	ssyncadd.s32 @!p1 $0xFFFF8000;
	p4 =	slt.s32 @!p3 s15, $0x185A0;
	s3 =	ssub.s32 @!p3 s3, s14  }
0xc3: {  	_ =	swait.ge @!p1 [sflag:s12], $0x100;
	p4 =	por @!p0 !p4, p2;
	p5 =	slt.s32 @!p3 s3, $0x0  }
0xc4: {  	[sflag:s12] =	ssyncset.done @!p1 $0x0;
	p4 =	por !p4, p0;
	p5 =	por @!p0 !p5, p2  }
0xc5: {  	s14 =	sadd.s32 @!p3 $0x3, s3;
	s15 =	simm.s32 @!p4 $0x185A0;
	p5 =	por !p5, p0  }
0xc6: {  	[sflag:s12] =	ssyncadd.s32 @!p1 $0xFFFFFF00;
	s3 =	smov.u32 @p5 s14;
	s14 =	sshll.u32 @!p3 s15, $0x4  }
0xc7: {  	s12 =	sshll.u32 @!p3 s3, $0x11;
	s16 =	sadd.s32 @!p3 $0x1, s3;
	s14 =	sand.u32 @!p3 $0x1FFFFF80, s14  }
0xc8: {  	s17 =	smul.u32 @!p3 $0x440, s3;
	s12 =	sshra.s32 @!p3 s12, $0x2;
	s14 =	sadd.s32 @!p3 s1, s14  }
0xc9: {  	[tilespmem:s12], [sflag:s16] =	stream.linear.gather @!p3 [hbm4b:s14+s26], $0x8000, $0x38;
	[tilespmem:$0x1A600] =	vst v63  }
0xca: {  	s12 =	sshra.s32 @!p3 s17, $0x2;
	s14 =	sshrl.u32 @!p3 s15, $0x3  }
0xcb: {  	s3 =	sadd.s32 @!p3 $0x4, s3;
	s12 =	sadd.s32 @!p3 $0x18000, s12;
	s14 =	sadd.s32 @!p3 s4, s14  }
0xcc: {  	[tilespmem:s12], [sflag:s3] =	stream.linear.gather @!p3 [hbm4b:s14+s26], $0x100, $0x38;
	[tilespmem:$0x1A600] =	vst v63  }
0xcd: {  	s26 =	sadd.s32 $0x1, s31  }
0xce: {  	s16 =	sshll.u32 s31, $0x8;
	s17 =	sshll.u32 s26, $0x8  }
0xcf: {  	s3 =	sadd.s32 s19, s16;
	s12 =	sadd.s32 s19, s17  }
0xd0: {  	p4 =	sgt.s32 s24, s3;
	p5 =	slt.s32 s25, s12  }
0xd1: {  	s3 =	smov.u32 @p4 s24;
	s12 =	smov.u32 @p5 s25  }
0xd2: {  	p4 =	sge.s32 s3, s12  }
.Ltmp7:
0xd3: {  	_ = 	snop;
	(pc) =	sbr.rel @p4 .LBB2_8-.Ltmp7, $1  }
0xd4: {  	_ =	sdelay $0x3  }
0xd5: {  	s14 =	smulhi.u32 $0x55555556, s31;
	s15 =	sshra.s32 s31, $0x1F  }
0xd6: {  	s15 =	smul.u32 $0x55555556, s15;
	_ =	sdelay $0x1  }
0xd7: {  	s14 =	sadd.s32 s15, s14  }
0xd8: {  	s15 =	sshrl.u32 s14, $0x1F  }
0xd9: {  	s14 =	sadd.s32 s15, s14  }
0xda: {  	s14 =	smul.u32 $0x3, s14;
	_ =	sdelay $0x1  }
0xdb: {  	p5 =	sgt.s32 s24, s28;
	s14 =	ssub.s32 s31, s14  }
0xdc: {  	s16 =	smov.u32 s28;
	p4 =	slt.s32 s14, $0x0;
	s15 =	sadd.s32 $0x3, s14  }
0xdd: {  	s16 =	smov.u32 @p5 s24;
	s14 =	smov.u32 @p4 s15  }
0xde: {  	p4 =	slt.s32 s28, $0x185A0;
	s15 =	smov.u32 s28;
	s17 =	smul.u32 $0x440, s14  }
0xdf: {  	s5 =	sshll.u32 s16, $0x2;
	s15 =	simm.s32 @!p4 $0x185A0  }
0xe0: {  	s7 =	sshll.u32 s15, $0x2;
	s5 =	sadd.s32 s5, s17  }
0xe1: {  	s5 =	ssub.s32 s5, s7  }
0xe2: {  	s5 =	sshra.s32 s5, $0x2  }
0xe3: {  	s5 =	sadd.s32 $0x18000, s5  }
0xe4: {  	v26 =	vld [tilespmem:s5+$0x0];
	_ =	sdelay $0x1  }
0xe5: {  	s16 =	sshll.u32 s16, $0x9;
	s14 =	sshll.u32 s14, $0x11  }
0xe6: {  	s15 =	sshll.u32 s15, $0x9;
	s7 =	sadd.s32 s16, s14  }
0xe7: {  	s7 =	ssub.s32 s7, s15;
	s15 =	sadd.s32 $0x1, s3  }
0xe8: {  	p5 =	slt.s32 s15, s12;
	v26 =	vmul.f32 $1.442695020e+00, v26  }
.Ltmp8:
0xe9: {  	_ = 	snop;
	(pc) =	sbr.rel @!p5 .LBB2_11-.Ltmp8, $3  }
0xea: {  	v26 =	vbroadcast v26, $0x0;
	_ =	sdelay $0x1  }
0xeb: {  	s17 =	sshra.s32 s7, $0x2;
	(erf) = vpow2.f32 v26  }
0xec: {  	p4 =	por $0x0, $0x0;
	s14 =	sadd.s32 $0x40, s17;
	s3 =	sadd.s32 $0x1, s5  }
0xed: {  	_ = 	snop  }
0xee: {  	v27 =	vld [tilespmem:s3+$0x0]  }
0xef: {  	v26 =	vld [tilespmem:s14+$0x30]  }
0xf0: {  	v28 =	vld [tilespmem:s14+$0xFFFFFFC0]  }
0xf1: {  	v33 =	vld [tilespmem:s14+$0xFFFFFFD0];
	_ =	sdelay $0x1  }
0xf2: {  	v30 =	vld [tilespmem:s14+$0xFFFFFFE0];
	v36 =	vmov v19;
	v37 =	vmov v24;
	v31 =	vmul.f32 $1.442695020e+00, v27  }
0xf3: {  	v29 =	vld [tilespmem:s14+$0xFFFFFFF0];
	s15 =	sadd.s32 $0x1, s15;
	v38 =	vmov v17;
	v39 =	vmov v21;
	v40 =	vmov v20;
	v27 =	vpop (erf)  }
0xf4: {  	v41 =	vmovc v15;
	v42 =	vmovc v18;
	p5 =	slt.s32 s15, s12;
	v14 =	vadd.f32 v28, v14;
	v31 =	vbroadcast v31, $0x0;
	v32 =	vmul.f32 v26, v27  }
.Ltmp9:
0xf5: {  	v43 =	vmovc v16;
	v4 =	vmax.f32 v4, v28;
	v34 =	vmul.f32 v27, v28;
	v28 =	vld [tilespmem:s14+$0x0];
	v35 =	vmul.f32 v27, v33;
	(pc) =	sbr.rel @!p5 .LBB2_13-.Ltmp9, $4  }
0xf6: {  	v44 =	vmovc v9;
	v45 =	vmovc v13;
	v46 =	vmov v12;
	v47 =	vmov v10;
	(erf) = vpow2.f32 v31;
	v31 =	vld [tilespmem:s14+$0x10]  }
0xf7: {  	v48 =	vmovc v8;
	v11 =	vadd.f32 v33, v11;
	v6 =	vmax.f32 v6, v33;
	v2 =	vadd.f32 v32, v2;
	v32 =	vld [tilespmem:s14+$0x20]  }
0xf8: {  	v49 =	vmovc v3;
	v1 =	vadd.f32 v27, v1;
	v50 =	vmul.f32 v30, v27;
	v51 =	vmul.f32 v29, v27  }
0xf9: {  	s16 =	sadd.s32 $0x1, s3;
	p4 =	por $0x1, $0x1;
	s3 =	smov.u32 s14;
	v33 =	vmovc v25;
	v7 =	vadd.f32 v34, v7;
	v5 =	vadd.f32 v35, v5;
	v34 =	vmovc v22;
	v35 =	vmov v23  }
.LBB2_14:
0xfa: {  	v52 =	vld [tilespmem:s16+$0x0];
	s15 =	sadd.s32 $0x1, s15;
	v33 =	vadd.f32 v30, v33;
	v34 =	vadd.f32 v50, v34;
	v50 =	vmul.f32 v28, v27  }
0xfb: {  	v35 =	vmax.f32 v35, v30;
	v36 =	vadd.f32 v51, v36;
	v30 =	vmul.f32 v31, v27;
	s3 =	sadd.s32 $0x80, s3;
	p5 =	slt.s32 s15, s12  }
0xfc: {  	v37 =	vadd.f32 v29, v37;
	v27 =	vmul.f32 v32, v27;
	v51 =	vld [tilespmem:s3+$0x30];
	v38 =	vadd.f32 v50, v38  }
0xfd: {  	v39 =	vmax.f32 v39, v29;
	v40 =	vadd.f32 v28, v40;
	v41 =	vadd.f32 v30, v41;
	v50 =	vld [tilespmem:s3+$0xFFFFFFC0]  }
0xfe: {  	v42 =	vmax.f32 v42, v28;
	v43 =	vadd.f32 v31, v43;
	v44 =	vadd.f32 v27, v44;
	v53 =	vld [tilespmem:s3+$0xFFFFFFD0]  }
0xff: {  	v45 =	vmax.f32 v45, v31;
	v46 =	vadd.f32 v32, v46;
	v28 =	vmul.f32 $1.442695020e+00, v52;
	v30 =	vld [tilespmem:s3+$0xFFFFFFE0]  }
0x100: {  	v47 =	vmax.f32 v47, v32;
	v48 =	vadd.f32 v26, v48;
	v49 =	vmax.f32 v49, v26;
	v29 =	vld [tilespmem:s3+$0xFFFFFFF0];
	v27 =	vpop (erf)  }
.Ltmp10:
0x101: {  	v32 =	vbroadcast v28, $0x0;
	v28 =	vld [tilespmem:s3+$0x0];
	v52 =	vmul.f32 v51, v27;
	v1 =	vadd.f32 v27, v1;
	v26 =	vmovc v51;
	(pc) =	sbr.rel @p5 .LBB2_14-.Ltmp10, $4  }
0x102: {  	v14 =	vadd.f32 v50, v14;
	v4 =	vmax.f32 v4, v50;
	v50 =	vmul.f32 v27, v50;
	v31 =	vld [tilespmem:s3+$0x10]  }
0x103: {  	(erf) = vpow2.f32 v32;
	v51 =	vmul.f32 v27, v53;
	v32 =	vld [tilespmem:s3+$0x20];
	v2 =	vadd.f32 v52, v2  }
0x104: {  	v11 =	vadd.f32 v53, v11;
	v7 =	vadd.f32 v50, v7;
	v50 =	vmul.f32 v30, v27  }
0x105: {  	s16 =	sadd.s32 $0x1, s16;
	v6 =	vmax.f32 v6, v53;
	v5 =	vadd.f32 v51, v5;
	v51 =	vmul.f32 v29, v27  }
.Ltmp11:
0x106: {  	_ = 	snop;
	(pc) =	sbr.rel .LBB2_15-.Ltmp11, $1  }
0x107: {  	_ =	sdelay $0x3  }
.LBB2_13:
.Ltmp12:
0x108: {  	(pc) =	sbr.rel .LBB2_15-.Ltmp12, $4  }
0x109: {  	v33 =	vmov v25;
	v34 =	vmov v22  }
0x10a: {  	v35 =	vmovc v23;
	v36 =	vmovc v19;
	v37 =	vmov v24;
	v38 =	vmov v17;
	v39 =	vmov v21  }
0x10b: {  	v40 =	vmovc v20;
	v41 =	vmovc v15;
	v42 =	vmov v18;
	v43 =	vmov v16;
	v44 =	vmov v9  }
0x10c: {  	s3 =	smov.u32 s14;
	v45 =	vmovc v13;
	v46 =	vmovc v12;
	v47 =	vmov v10;
	v48 =	vmov v8;
	v49 =	vmov v3  }
.LBB2_6:
0x10d: {  	_ =	sfence.sel $0x180000  }
0x10e: {  	[bflag:$0x0] =	sbarrier.arrive $0xFFFF  }
0x10f: {  	_ =	strace $0x90000047  }
0x110: {  	s0 =	stileid.u32;
	[bflag:$0x2] =	sbarrier.arrive $0xFFFF  }
0x111: {  	p0 =	sne.s32 s0, $0x0;
	s0 =	rddreg [dreg:$0x3]  }
0x112: {  	s0 =	sadd.s32 @!p0 $0x100000, s0  }
0x113: {  	[sflag:s0] =	ssyncadd.tile.s32 @!p0 $0x1;
	_ =	shalt  }
.Lfunc_end2:
_tile_overlayer_lowered:
.L_overlay_start_2:
0x114: {  	(tag) =	ssettag $0x2  }
0x115: {  	s0 =	rddreg [dreg:$0x0];
	s2 =	stileid.u32  }
0x116: {  	s1 =	rddreg [dreg:$0x1];
	p0 =	sne.s32 s2, $0x0  }
0x117: {  	s3 =	rddreg [dreg:$0x2];
	[bflag:$0x3] =	sbarrier.arrive $0xFFFF;
	s2 =	simm.s32 @!p0 $0x1C07  }
0x118: {  	[timem:s3], [sflag:s2] =	dma.local @!p0 [hbm:s0], s1  }
0x119: {  	s0 =	simm.s32 @!p0 $0x7  }
0x11a: {  	_ =	swait.ge @!p0 [sflag:s0], s1  }
0x11b: {  	s1 =	ssub.s32 @!p0 $0x0, s1;
	[sflag:s0] =	ssyncset.done @!p0 $0x0  }
0x11c: {  	[sflag:s0] =	ssyncadd.s32 @!p0 s1  }
0x11d: {  	[bflag:$0x3] =	sbarrier.arrive $0xFFFF  }
0x11e: {  	_ =	shalt  }

</sc_bundles>
